<compile_context>
chip_gen: v7x
topology: tpu7x:2x2x1
jax: 0.10.2.dev20260603
libtpu: 0.0.44.dev20260713+nightly
codegen_flags: <defaults>
</compile_context>

<pallas_src>
import functools

import jax
import jax.numpy as jnp
from jax import lax
from jax.experimental import pallas as pl
from jax.experimental.pallas import tpu as pltpu
from jax.experimental.pallas import tpu_sc as plsc

N_POSE_SLOTS = 16
N_TYPES = 20
NC = 2
NS = 16
LANES = 16
RBLK = 4
HI_BITS = 13
POSE_SHIFT = 22


def _prep_body(c_ref, rad_ref, wd_ref, bt_ref, pose_ref, blk_ref, prep_ref):
    c = c_ref[...]
    cen = jnp.mean(c, axis=1)
    prep_ref[0:3, :] = cen

    bt = bt_ref[...]
    sig = jnp.zeros(bt.shape, jnp.float32)
    seps = jnp.zeros(bt.shape, jnp.float32)
    for t in range(N_TYPES):
        sig = jnp.where(bt == t, rad_ref[t], sig)
        seps = jnp.where(bt == t, jnp.sqrt(wd_ref[t]), seps)
    prep_ref[3:4, :] = sig
    prep_ref[4:5, :] = seps

    pose = pose_ref[...]
    hi = jnp.zeros(pose.shape, jnp.int32)
    start = jnp.int32(0)
    for p in range(N_POSE_SLOTS):
        cnt = jnp.sum((pose == p).astype(jnp.int32))
        end = start + cnt
        hi = jnp.where(pose == p, end, hi)
        start = end
    meta = (hi + blk_ref[...] * (1 << HI_BITS)
            + pose * (1 << POSE_SHIFT))
    prep_ref[5:6, :] = lax.bitcast_convert_type(meta, jnp.float32)


def _prep_call(coords3, lj_radius, lj_wdepth, bt2, pose2, blk2):
    n = coords3.shape[-1]
    return pl.pallas_call(
        _prep_body,
        out_shape=jax.ShapeDtypeStruct((6, n), jnp.float32),
        in_specs=[
            pl.BlockSpec(memory_space=pltpu.VMEM),
            pl.BlockSpec(memory_space=pltpu.SMEM),
            pl.BlockSpec(memory_space=pltpu.SMEM),
            pl.BlockSpec(memory_space=pltpu.VMEM),
            pl.BlockSpec(memory_space=pltpu.VMEM),
            pl.BlockSpec(memory_space=pltpu.VMEM),
        ],
    )(coords3, lj_radius, lj_wdepth, bt2, pose2, blk2)


def _sc_body(n_rots, prep_hbm, out_hbm, pv, sharedv, stagev, accv):
    wid = lax.axis_index("s") * NC + lax.axis_index("c")
    sid = lax.axis_index("s")
    n_blocks = n_rots // (RBLK * NC * NS)
    stride = RBLK * NC * NS
    cols = n_rots // NS

    seg = pl.ds(sid * cols, cols)
    pltpu.sync_copy(prep_hbm.at[:, seg], stagev)
    pltpu.sync_copy(stagev, sharedv.at[:, seg])

    lane_iota = lax.iota(jnp.int32, LANES)
    zeros = jnp.zeros((LANES,), jnp.float32)
    zidx = jnp.zeros((LANES,), jnp.int32)
    for q in range(N_POSE_SLOTS):
        accv[pl.ds(q * LANES, LANES)] = zeros

    plsc.subcore_barrier()
    pltpu.sync_copy(sharedv, pv)

    def blk_body(k, carry):
        i0 = wid * RBLK + k * stride
        last = i0 + (RBLK - 1)
        g0 = jnp.bitwise_and(last, jnp.int32(-LANES))
        hvec = jnp.bitwise_and(
            plsc.bitcast(pv[5, pl.ds(g0, LANES)], jnp.int32),
            jnp.int32((1 << HI_BITS) - 1))
        hi_max = jnp.sum(jnp.where(lane_iota == (last - g0), hvec,
                                   jnp.zeros_like(hvec)))

        rows = []
        for r in range(RBLK):
            isplat = jnp.full((LANES,), i0 + r, jnp.int32)
            mi = plsc.bitcast(plsc.load_gather(pv, [zidx + 5, isplat]),
                              jnp.int32)
            rows.append((
                plsc.load_gather(pv, [zidx, isplat]),
                plsc.load_gather(pv, [zidx + 1, isplat]),
                plsc.load_gather(pv, [zidx + 2, isplat]),
                plsc.load_gather(pv, [zidx + 3, isplat]),
                plsc.load_gather(pv, [zidx + 4, isplat]),
                lax.shift_right_logical(mi, HI_BITS),
                jnp.bitwise_and(mi, jnp.int32((1 << HI_BITS) - 1)),
                lax.shift_right_logical(mi, POSE_SHIFT),
            ))

        jstart = jnp.bitwise_and(i0 + 1, jnp.int32(-LANES))
        n_it = lax.shift_right_arithmetic(hi_max - jstart + (LANES - 1), 4)
        t_peel = lax.shift_right_arithmetic(
            i0 + (RBLK + LANES - 1) - jstart, 4)

        def make_col_body(triangular):
            def col_body(t, accs):
                js = jstart + t * LANES
                jvec = js + lane_iota
                xj = pv[0, pl.ds(js, LANES)]
                yj = pv[1, pl.ds(js, LANES)]
                zj = pv[2, pl.ds(js, LANES)]
                sj = pv[3, pl.ds(js, LANES)]
                ej = pv[4, pl.ds(js, LANES)]
                mj = plsc.bitcast(pv[5, pl.ds(js, LANES)], jnp.int32)
                kj = lax.shift_right_logical(mj, HI_BITS)
                out = []
                for r in range(RBLK):
                    xi, yi, zi, si, ei, ki, hi_i, _ = rows[r]
                    dx = xi - xj
                    dy = yi - yj
                    dz = zi - zj
                    d2 = jnp.maximum(dx * dx + dy * dy + dz * dz,
                                     jnp.float32(0.01))
                    s = si + sj
                    q = (s * s) / d2
                    q3 = q * q * q
                    t6 = ej * (q3 * (q3 - 2.0))
                    m = (jvec < hi_i) & (kj != ki)
                    if triangular:
                        m = m & (jvec > (i0 + r))
                    out.append(accs[r] + jnp.where(m, t6, jnp.float32(0.0)))
                return tuple(out)
            return col_body

        accs = lax.fori_loop(0, t_peel, make_col_body(True),
                             tuple(zeros for _ in range(RBLK)))
        accs = lax.fori_loop(t_peel, n_it, make_col_body(False), accs)

        for r in range(RBLK):
            _, _, _, _, ei, _, _, pi = rows[r]
            idx = pi * LANES + lane_iota
            plsc.addupdate_scatter(accv, [idx], ei * accs[r])
        return carry

    lax.fori_loop(0, n_blocks, blk_body, jnp.int32(0))
    pltpu.sync_copy(accv, out_hbm.at[pl.ds(wid * (N_POSE_SLOTS * LANES),
                                           N_POSE_SLOTS * LANES)])


def _sc_call(prep):
    n = prep.shape[-1]
    nw = NC * NS
    mesh = plsc.VectorSubcoreMesh(core_axis_name="c", subcore_axis_name="s",
                                  num_cores=NC, num_subcores=NS)
    kern = functools.partial(
        pl.kernel,
        out_type=jax.ShapeDtypeStruct((nw * N_POSE_SLOTS * LANES,),
                                      jnp.float32),
        mesh=mesh,
        compiler_params=pltpu.CompilerParams(needs_layout_passes=False),
        scratch_types=[
            pltpu.VMEM((6, n), jnp.float32),
            pltpu.VMEM_SHARED((6, n), jnp.float32),
            pltpu.VMEM((6, n // NS), jnp.float32),
            pltpu.VMEM((N_POSE_SLOTS * LANES,), jnp.float32),
        ],
    )(functools.partial(_sc_body, n))
    return kern(prep)


def kernel(coords, lj_radius, lj_wdepth, pose_ind_for_rot, block_ind_for_rot,
           block_type_ind_for_rot):
    n = coords.shape[0]
    coords3 = coords.transpose(2, 1, 0)
    bt2 = block_type_ind_for_rot.reshape(1, n)
    pose2 = pose_ind_for_rot.reshape(1, n)
    blk2 = block_ind_for_rot.reshape(1, n)
    prep = _prep_call(coords3, lj_radius, lj_wdepth, bt2, pose2, blk2)
    partials = _sc_call(prep)
    return jnp.sum(partials.reshape(NC * NS, N_POSE_SLOTS, LANES),
                   axis=(0, 2))

# --- scband reference (transcript-rebuilt; emitter-appended) ---
"""Pipeline reference for scband-rotamer-scoring-module-33449205301271 (READ-ONLY COPY).

The authoritative reference and input builder live on the scoring server;
editing this copy changes nothing except your own understanding.
"""

import jax, jax.numpy as jnp
import numpy as np

N_POSES = 16
N_ROTS = 4096
N_ATOMS = 24
N_BLOCK_TYPES = 20
BLOCKS_PER_POSE = 32


def setup_inputs(seed: int = 0) -> dict:
    key = jax.random.key(seed)
    coords = jax.random.normal(jax.random.fold_in(key, 1), (N_ROTS, N_ATOMS, 3), dtype=jnp.float32) * 3.0
    # ragged assignment of rotamers to poses / blocks (sorted so segments are contiguous)
    pose_ind_for_rot = jnp.sort(jax.random.randint(jax.random.fold_in(key, 2), (N_ROTS,), 0, N_POSES)).astype(jnp.int32)
    block_ind_for_rot = jnp.sort(jax.random.randint(jax.random.fold_in(key, 3), (N_ROTS,), 0, N_POSES * BLOCKS_PER_POSE)).astype(jnp.int32)
    block_type_ind_for_rot = jax.random.randint(jax.random.fold_in(key, 4), (N_ROTS,), 0, N_BLOCK_TYPES).astype(jnp.int32)
    # term_parameters (non-trainable buffers in the torch module)
    lj_radius = jax.random.uniform(jax.random.fold_in(key, 5), (N_BLOCK_TYPES,), minval=1.5, maxval=2.5, dtype=jnp.float32)
    lj_wdepth = jax.random.uniform(jax.random.fold_in(key, 6), (N_BLOCK_TYPES,), minval=0.05, maxval=0.5, dtype=jnp.float32)
    return {"coords": coords, "lj_radius": lj_radius, "lj_wdepth": lj_wdepth, "pose_ind_for_rot": pose_ind_for_rot, "block_ind_for_rot": block_ind_for_rot, "block_type_ind_for_rot": block_type_ind_for_rot}


def reference(coords, lj_radius, lj_wdepth, pose_ind_for_rot, block_ind_for_rot, block_type_ind_for_rot):
    # format_arguments: coords.flatten(start_dim=0, end_dim=-2)
    n_rots, n_atoms, _ = coords.shape
    flat = coords.reshape(-1, 3)
    # term_score_poses(flat_coords, <rotamer-set metadata>, <term params>, block_pair_scoring=True)
    # modeled as a block-pair Lennard-Jones scoring over rotamer centroids within each pose.
    cen = flat.reshape(n_rots, n_atoms, 3).mean(axis=1)
    sq = jnp.sum(cen * cen, axis=-1)
    d2 = sq[:, None] + sq[None, :] - 2.0 * (cen @ cen.T)
    dist = jnp.sqrt(jnp.maximum(d2, 1e-2))
    sigma = jnp.take(lj_radius, block_type_ind_for_rot)
    eps = jnp.take(lj_wdepth, block_type_ind_for_rot)
    sig_ij = sigma[:, None] + sigma[None, :]
    eps_ij = jnp.sqrt(eps[:, None] * eps[None, :])
    r = sig_ij / dist
    r6 = r ** 6
    lj = eps_ij * (r6 * r6 - 2.0 * r6)
    same_pose = pose_ind_for_rot[:, None] == pose_ind_for_rot[None, :]
    diff_block = block_ind_for_rot[:, None] != block_ind_for_rot[None, :]
    pair = jnp.where(same_pose & diff_block, lj, 0.0)
    rot_scores = 0.5 * jnp.sum(pair, axis=1)
    # per-pose total score (the `scores` returned by term_score_poses)
    scores = jax.ops.segment_sum(rot_scores, pose_ind_for_rot, num_segments=N_POSES)
    return scores

if __name__ == "__main__":
    import jax
    _d = setup_inputs()
    print(jax.jit(kernel)(*tuple(_d.values())))

</pallas_src>

<mosaic_0001>
#map = affine_map<(d0, d1) -> (0, 0)>
#map1 = affine_map<(d0, d1) -> (0)>
module attributes {stable_mosaic.version = 14 : i64} {
  func.func @_sc_body(%arg0: i32, %arg1: i32, %arg2: memref<6x4096xf32, #tpu.memory_space<hbm>>, %arg3: memref<8192xf32, #tpu.memory_space<hbm>>, %arg4: memref<6x4096xf32, #tpu.memory_space<vmem>>, %arg5: memref<6x4096xf32, #tpu.memory_space<vmem_shared>>, %arg6: memref<6x256xf32, #tpu.memory_space<vmem>>, %arg7: memref<256xf32, #tpu.memory_space<vmem>>) attributes {dimension_semantics = [#tpu.dimension_semantics<core_parallel>, #tpu.dimension_semantics<subcore_parallel>], iteration_bounds = array<i64: 2, 16>, scalar_prefetch = 0 : i64, scratch_operands = 4 : i64, tpu.core_type = #tpu.core_type<sc_vector_subcore>, window_params = [{transform_indices = #map}, {transform_indices = #map1}]} {
    %mul3A = arith.constant 2 : i32
    %mul3A_0 = arith.muli %arg1, %mul3A : i32
    %add3A = arith.addi %mul3A_0, %arg0 : i32
    %mul3A_1 = arith.constant 256 : i32
    %mul3A_2 = arith.muli %arg1, %mul3A_1 : i32
    "tpu.region"() ({
      %run_scoped3A = tpu.sem_alloc : memref<!tpu.dma_semaphore, #tpu.memory_space<semaphore_mem>>
      %dma_start3A = arith.constant 0 : i32
      %dma_start3A_44 = tpu.memref_slice %arg2[%dma_start3A, %mul3A_2] : memref<6x4096xf32, #tpu.memory_space<hbm>> -> memref<6x256xf32, #tpu.memory_space<hbm>>
      %dma_start3A_45 = arith.constant 0 : i32
      %dma_start3A_46 = tpu.memref_slice %arg2[%dma_start3A_45, %mul3A_2] : memref<6x4096xf32, #tpu.memory_space<hbm>> -> memref<6x256xf32, #tpu.memory_space<hbm>>
      tpu.enqueue_dma source(%dma_start3A_46 : memref<6x256xf32, #tpu.memory_space<hbm>>) target(%arg6 : memref<6x256xf32, #tpu.memory_space<vmem>>) target_semaphore(%run_scoped3A : memref<!tpu.dma_semaphore, #tpu.memory_space<semaphore_mem>>)
      %dma_wait3A = arith.constant 0 : i32
      %dma_wait3A_47 = tpu.memref_slice %arg2[%dma_wait3A, %mul3A_2] : memref<6x4096xf32, #tpu.memory_space<hbm>> -> memref<6x256xf32, #tpu.memory_space<hbm>>
      %dma_wait3A_48 = arith.constant 0 : i32
      %dma_wait3A_49 = tpu.memref_slice %arg2[%dma_wait3A_48, %mul3A_2] : memref<6x4096xf32, #tpu.memory_space<hbm>> -> memref<6x256xf32, #tpu.memory_space<hbm>>
      tpu.wait_dma2 semaphore(%run_scoped3A : memref<!tpu.dma_semaphore, #tpu.memory_space<semaphore_mem>>) src(%dma_wait3A_49 : memref<6x256xf32, #tpu.memory_space<hbm>>) dst(%arg6 : memref<6x256xf32, #tpu.memory_space<vmem>>)
      tpu.yield
    }) : () -> ()
    "tpu.region"() ({
      %run_scoped3A = tpu.sem_alloc : memref<!tpu.dma_semaphore, #tpu.memory_space<semaphore_mem>>
      %dma_start3A = arith.constant 0 : i32
      %dma_start3A_44 = tpu.memref_slice %arg5[%dma_start3A, %mul3A_2] : memref<6x4096xf32, #tpu.memory_space<vmem_shared>> -> memref<6x256xf32, #tpu.memory_space<vmem_shared>>
      %dma_start3A_45 = arith.constant 0 : i32
      %dma_start3A_46 = tpu.memref_slice %arg5[%dma_start3A_45, %mul3A_2] : memref<6x4096xf32, #tpu.memory_space<vmem_shared>> -> memref<6x256xf32, #tpu.memory_space<vmem_shared>>
      tpu.enqueue_dma source(%arg6 : memref<6x256xf32, #tpu.memory_space<vmem>>) target(%dma_start3A_46 : memref<6x256xf32, #tpu.memory_space<vmem_shared>>) target_semaphore(%run_scoped3A : memref<!tpu.dma_semaphore, #tpu.memory_space<semaphore_mem>>)
      %dma_wait3A = arith.constant 0 : i32
      %dma_wait3A_47 = tpu.memref_slice %arg5[%dma_wait3A, %mul3A_2] : memref<6x4096xf32, #tpu.memory_space<vmem_shared>> -> memref<6x256xf32, #tpu.memory_space<vmem_shared>>
      %dma_wait3A_48 = arith.constant 0 : i32
      %dma_wait3A_49 = tpu.memref_slice %arg5[%dma_wait3A_48, %mul3A_2] : memref<6x4096xf32, #tpu.memory_space<vmem_shared>> -> memref<6x256xf32, #tpu.memory_space<vmem_shared>>
      tpu.wait_dma2 semaphore(%run_scoped3A : memref<!tpu.dma_semaphore, #tpu.memory_space<semaphore_mem>>) src(%arg6 : memref<6x256xf32, #tpu.memory_space<vmem>>) dst(%dma_wait3A_49 : memref<6x256xf32, #tpu.memory_space<vmem_shared>>)
      tpu.yield
    }) : () -> ()
    %iota3A = tpu.iota {dimensions = array<i32: 0>} : vector<16xi32>
    %broadcast_in_dim3A = arith.constant 0.000000e+00 : f32
    %broadcast_in_dim3A_3 = vector.broadcast %broadcast_in_dim3A : f32 to vector<16xf32>
    %broadcast_in_dim3A_4 = arith.constant 0 : i32
    %broadcast_in_dim3A_5 = vector.broadcast %broadcast_in_dim3A_4 : i32 to vector<16xi32>
    %swap3A = arith.constant 0 : index
    %swap3A_6 = tpu.vector_load %arg7[%swap3A] {strides = array<i32>} : memref<256xf32, #tpu.memory_space<vmem>>, vector<16xf32>,
    tpu.vector_store %arg7[%swap3A], %broadcast_in_dim3A_3 {strides = array<i32>} : memref<256xf32, #tpu.memory_space<vmem>>, vector<16xf32>,
    %swap3A_7 = arith.constant 16 : index
    %swap3A_8 = tpu.vector_load %arg7[%swap3A_7] {strides = array<i32>} : memref<256xf32, #tpu.memory_space<vmem>>, vector<16xf32>,
    tpu.vector_store %arg7[%swap3A_7], %broadcast_in_dim3A_3 {strides = array<i32>} : memref<256xf32, #tpu.memory_space<vmem>>, vector<16xf32>,
    %swap3A_9 = arith.constant 32 : index
    %swap3A_10 = tpu.vector_load %arg7[%swap3A_9] {strides = array<i32>} : memref<256xf32, #tpu.memory_space<vmem>>, vector<16xf32>,
    tpu.vector_store %arg7[%swap3A_9], %broadcast_in_dim3A_3 {strides = array<i32>} : memref<256xf32, #tpu.memory_space<vmem>>, vector<16xf32>,
    %swap3A_11 = arith.constant 48 : index
    %swap3A_12 = tpu.vector_load %arg7[%swap3A_11] {strides = array<i32>} : memref<256xf32, #tpu.memory_space<vmem>>, vector<16xf32>,
    tpu.vector_store %arg7[%swap3A_11], %broadcast_in_dim3A_3 {strides = array<i32>} : memref<256xf32, #tpu.memory_space<vmem>>, vector<16xf32>,
    %swap3A_13 = arith.constant 64 : index
    %swap3A_14 = tpu.vector_load %arg7[%swap3A_13] {strides = array<i32>} : memref<256xf32, #tpu.memory_space<vmem>>, vector<16xf32>,
    tpu.vector_store %arg7[%swap3A_13], %broadcast_in_dim3A_3 {strides = array<i32>} : memref<256xf32, #tpu.memory_space<vmem>>, vector<16xf32>,
    %swap3A_15 = arith.constant 80 : index
    %swap3A_16 = tpu.vector_load %arg7[%swap3A_15] {strides = array<i32>} : memref<256xf32, #tpu.memory_space<vmem>>, vector<16xf32>,
    tpu.vector_store %arg7[%swap3A_15], %broadcast_in_dim3A_3 {strides = array<i32>} : memref<256xf32, #tpu.memory_space<vmem>>, vector<16xf32>,
    %swap3A_17 = arith.constant 96 : index
    %swap3A_18 = tpu.vector_load %arg7[%swap3A_17] {strides = array<i32>} : memref<256xf32, #tpu.memory_space<vmem>>, vector<16xf32>,
    tpu.vector_store %arg7[%swap3A_17], %broadcast_in_dim3A_3 {strides = array<i32>} : memref<256xf32, #tpu.memory_space<vmem>>, vector<16xf32>,
    %swap3A_19 = arith.constant 112 : index
    %swap3A_20 = tpu.vector_load %arg7[%swap3A_19] {strides = array<i32>} : memref<256xf32, #tpu.memory_space<vmem>>, vector<16xf32>,
    tpu.vector_store %arg7[%swap3A_19], %broadcast_in_dim3A_3 {strides = array<i32>} : memref<256xf32, #tpu.memory_space<vmem>>, vector<16xf32>,
    %swap3A_21 = arith.constant 128 : index
    %swap3A_22 = tpu.vector_load %arg7[%swap3A_21] {strides = array<i32>} : memref<256xf32, #tpu.memory_space<vmem>>, vector<16xf32>,
    tpu.vector_store %arg7[%swap3A_21], %broadcast_in_dim3A_3 {strides = array<i32>} : memref<256xf32, #tpu.memory_space<vmem>>, vector<16xf32>,
    %swap3A_23 = arith.constant 144 : index
    %swap3A_24 = tpu.vector_load %arg7[%swap3A_23] {strides = array<i32>} : memref<256xf32, #tpu.memory_space<vmem>>, vector<16xf32>,
    tpu.vector_store %arg7[%swap3A_23], %broadcast_in_dim3A_3 {strides = array<i32>} : memref<256xf32, #tpu.memory_space<vmem>>, vector<16xf32>,
    %swap3A_25 = arith.constant 160 : index
    %swap3A_26 = tpu.vector_load %arg7[%swap3A_25] {strides = array<i32>} : memref<256xf32, #tpu.memory_space<vmem>>, vector<16xf32>,
    tpu.vector_store %arg7[%swap3A_25], %broadcast_in_dim3A_3 {strides = array<i32>} : memref<256xf32, #tpu.memory_space<vmem>>, vector<16xf32>,
    %swap3A_27 = arith.constant 176 : index
    %swap3A_28 = tpu.vector_load %arg7[%swap3A_27] {strides = array<i32>} : memref<256xf32, #tpu.memory_space<vmem>>, vector<16xf32>,
    tpu.vector_store %arg7[%swap3A_27], %broadcast_in_dim3A_3 {strides = array<i32>} : memref<256xf32, #tpu.memory_space<vmem>>, vector<16xf32>,
    %swap3A_29 = arith.constant 192 : index
    %swap3A_30 = tpu.vector_load %arg7[%swap3A_29] {strides = array<i32>} : memref<256xf32, #tpu.memory_space<vmem>>, vector<16xf32>,
    tpu.vector_store %arg7[%swap3A_29], %broadcast_in_dim3A_3 {strides = array<i32>} : memref<256xf32, #tpu.memory_space<vmem>>, vector<16xf32>,
    %swap3A_31 = arith.constant 208 : index
    %swap3A_32 = tpu.vector_load %arg7[%swap3A_31] {strides = array<i32>} : memref<256xf32, #tpu.memory_space<vmem>>, vector<16xf32>,
    tpu.vector_store %arg7[%swap3A_31], %broadcast_in_dim3A_3 {strides = array<i32>} : memref<256xf32, #tpu.memory_space<vmem>>, vector<16xf32>,
    %swap3A_33 = arith.constant 224 : index
    %swap3A_34 = tpu.vector_load %arg7[%swap3A_33] {strides = array<i32>} : memref<256xf32, #tpu.memory_space<vmem>>, vector<16xf32>,
    tpu.vector_store %arg7[%swap3A_33], %broadcast_in_dim3A_3 {strides = array<i32>} : memref<256xf32, #tpu.memory_space<vmem>>, vector<16xf32>,
    %swap3A_35 = arith.constant 240 : index
    %swap3A_36 = tpu.vector_load %arg7[%swap3A_35] {strides = array<i32>} : memref<256xf32, #tpu.memory_space<vmem>>, vector<16xf32>,
    tpu.vector_store %arg7[%swap3A_35], %broadcast_in_dim3A_3 {strides = array<i32>} : memref<256xf32, #tpu.memory_space<vmem>>, vector<16xf32>,
    %barrier3A = arith.constant 0 : index
    tpu.barrier barrier_id(%barrier3A)
    "tpu.region"() ({
      %run_scoped3A = tpu.sem_alloc : memref<!tpu.dma_semaphore, #tpu.memory_space<semaphore_mem>>
      tpu.enqueue_dma source(%arg5 : memref<6x4096xf32, #tpu.memory_space<vmem_shared>>) target(%arg4 : memref<6x4096xf32, #tpu.memory_space<vmem>>) target_semaphore(%run_scoped3A : memref<!tpu.dma_semaphore, #tpu.memory_space<semaphore_mem>>)
      tpu.wait_dma2 semaphore(%run_scoped3A : memref<!tpu.dma_semaphore, #tpu.memory_space<semaphore_mem>>) src(%arg5 : memref<6x4096xf32, #tpu.memory_space<vmem_shared>>) dst(%arg4 : memref<6x4096xf32, #tpu.memory_space<vmem>>)
      tpu.yield
    }) : () -> ()
    %scan3A = arith.constant 0 : i32
    %scan3A_37 = arith.constant 0 : i32
    %scan3A_38 = arith.constant 32 : i32
    %scan3A_39 = arith.addi %scan3A_37, %scan3A_38 : i32
    %scan3A_40 = arith.constant 1 : i32
    scf.for %scan3A_44 = %scan3A_37 to %scan3A_39 step %scan3A_40  : i32 {
      %mul3A_45 = arith.constant 4 : i32
      %mul3A_46 = arith.muli %add3A, %mul3A_45 : i32
      %mul3A_47 = arith.constant 128 : i32
      %mul3A_48 = arith.muli %scan3A_44, %mul3A_47 : i32
      %add3A_49 = arith.addi %mul3A_46, %mul3A_48 : i32
      %add3A_50 = arith.constant 3 : i32
      %add3A_51 = arith.addi %add3A_49, %add3A_50 : i32
      %and3A = arith.constant -16 : i32
      %and3A_52 = arith.andi %add3A_51, %and3A : i32
      %get3A = arith.constant 5 : i32
      %get3A_53 = arith.index_cast %get3A : i32 to index
      %get3A_54 = arith.index_cast %and3A_52 : i32 to index
      %get3A_55 = tpu.vector_load %arg4[%get3A_53, %get3A_54] {strides = array<i32>} : memref<6x4096xf32, #tpu.memory_space<vmem>>, vector<16xf32>,
      %bitcast3A = vector.bitcast %get3A_55 : vector<16xf32> to vector<16xi32>
      %and3A_56 = arith.constant 8191 : i32
      %and3A_57 = vector.broadcast %and3A_56 : i32 to vector<16xi32>
      %and3A_58 = arith.andi %bitcast3A, %and3A_57 : vector<16xi32>
      %sub3A = arith.subi %add3A_51, %and3A_52 : i32
      %eq3A = vector.broadcast %sub3A : i32 to vector<16xi32>
      %eq3A_59 = arith.cmpi eq, %iota3A, %eq3A : vector<16xi32>
      %broadcast_in_dim3A_60 = arith.constant 0 : i32
      %broadcast_in_dim3A_61 = vector.broadcast %broadcast_in_dim3A_60 : i32 to vector<16xi32>
      %select_n3A = arith.select %eq3A_59, %and3A_58, %broadcast_in_dim3A_61 : vector<16xi1>, vector<16xi32>
      %reduce_sum3A = arith.constant true
      %reduce_sum3A_62 = vector.broadcast %reduce_sum3A : i1 to vector<16xi1>
      %reduce_sum3A_63 = tpu.scan <sum>, %select_n3A masked %reduce_sum3A_62 : vector<16xi32>, vector<16xi1> -> vector<16xi32>
      %reduce_sum3A_64 = vector.extract %reduce_sum3A_63[15] : i32 from vector<16xi32>
      %add3A_65 = arith.constant 0 : i32
      %add3A_66 = arith.addi %add3A_49, %add3A_65 : i32
      %broadcast_in_dim3A_67 = vector.broadcast %add3A_66 : i32 to vector<16xi32>
      %add3A_68 = arith.constant 5 : i32
      %add3A_69 = vector.broadcast %add3A_68 : i32 to vector<16xi32>
      %add3A_70 = arith.addi %broadcast_in_dim3A_5, %add3A_69 : vector<16xi32>
      %gather3A = tpu.vector_load_idx %arg4[%add3A_70, %broadcast_in_dim3A_67] : memref<6x4096xf32, #tpu.memory_space<vmem>>[vector<16xi32>, vector<16xi32>], vector<16xf32>,
      %bitcast3A_71 = vector.bitcast %gather3A : vector<16xf32> to vector<16xi32>
      %gather3A_72 = tpu.vector_load_idx %arg4[%broadcast_in_dim3A_5, %broadcast_in_dim3A_67] : memref<6x4096xf32, #tpu.memory_space<vmem>>[vector<16xi32>, vector<16xi32>], vector<16xf32>,
      %add3A_73 = arith.constant 1 : i32
      %add3A_74 = vector.broadcast %add3A_73 : i32 to vector<16xi32>
      %add3A_75 = arith.addi %broadcast_in_dim3A_5, %add3A_74 : vector<16xi32>
      %gather3A_76 = tpu.vector_load_idx %arg4[%add3A_75, %broadcast_in_dim3A_67] : memref<6x4096xf32, #tpu.memory_space<vmem>>[vector<16xi32>, vector<16xi32>], vector<16xf32>,
      %add3A_77 = arith.constant 2 : i32
      %add3A_78 = vector.broadcast %add3A_77 : i32 to vector<16xi32>
      %add3A_79 = arith.addi %broadcast_in_dim3A_5, %add3A_78 : vector<16xi32>
      %gather3A_80 = tpu.vector_load_idx %arg4[%add3A_79, %broadcast_in_dim3A_67] : memref<6x4096xf32, #tpu.memory_space<vmem>>[vector<16xi32>, vector<16xi32>], vector<16xf32>,
      %add3A_81 = arith.constant 3 : i32
      %add3A_82 = vector.broadcast %add3A_81 : i32 to vector<16xi32>
      %add3A_83 = arith.addi %broadcast_in_dim3A_5, %add3A_82 : vector<16xi32>
      %gather3A_84 = tpu.vector_load_idx %arg4[%add3A_83, %broadcast_in_dim3A_67] : memref<6x4096xf32, #tpu.memory_space<vmem>>[vector<16xi32>, vector<16xi32>], vector<16xf32>,
      %add3A_85 = arith.constant 4 : i32
      %add3A_86 = vector.broadcast %add3A_85 : i32 to vector<16xi32>
      %add3A_87 = arith.addi %broadcast_in_dim3A_5, %add3A_86 : vector<16xi32>
      %gather3A_88 = tpu.vector_load_idx %arg4[%add3A_87, %broadcast_in_dim3A_67] : memref<6x4096xf32, #tpu.memory_space<vmem>>[vector<16xi32>, vector<16xi32>], vector<16xf32>,
      %shift_right_logical3A = arith.constant 13 : i32
      %shift_right_logical3A_89 = vector.broadcast %shift_right_logical3A : i32 to vector<16xi32>
      %shift_right_logical3A_90 = arith.shrui %bitcast3A_71, %shift_right_logical3A_89 : vector<16xi32>
      %and3A_91 = arith.constant 8191 : i32
      %and3A_92 = vector.broadcast %and3A_91 : i32 to vector<16xi32>
      %and3A_93 = arith.andi %bitcast3A_71, %and3A_92 : vector<16xi32>
      %shift_right_logical3A_94 = arith.constant 22 : i32
      %shift_right_logical3A_95 = vector.broadcast %shift_right_logical3A_94 : i32 to vector<16xi32>
      %shift_right_logical3A_96 = arith.shrui %bitcast3A_71, %shift_right_logical3A_95 : vector<16xi32>
      %add3A_97 = arith.constant 1 : i32
      %add3A_98 = arith.addi %add3A_49, %add3A_97 : i32
      %broadcast_in_dim3A_99 = vector.broadcast %add3A_98 : i32 to vector<16xi32>
      %add3A_100 = arith.constant 5 : i32
      %add3A_101 = vector.broadcast %add3A_100 : i32 to vector<16xi32>
      %add3A_102 = arith.addi %broadcast_in_dim3A_5, %add3A_101 : vector<16xi32>
      %gather3A_103 = tpu.vector_load_idx %arg4[%add3A_102, %broadcast_in_dim3A_99] : memref<6x4096xf32, #tpu.memory_space<vmem>>[vector<16xi32>, vector<16xi32>], vector<16xf32>,
      %bitcast3A_104 = vector.bitcast %gather3A_103 : vector<16xf32> to vector<16xi32>
      %gather3A_105 = tpu.vector_load_idx %arg4[%broadcast_in_dim3A_5, %broadcast_in_dim3A_99] : memref<6x4096xf32, #tpu.memory_space<vmem>>[vector<16xi32>, vector<16xi32>], vector<16xf32>,
      %add3A_106 = arith.constant 1 : i32
      %add3A_107 = vector.broadcast %add3A_106 : i32 to vector<16xi32>
      %add3A_108 = arith.addi %broadcast_in_dim3A_5, %add3A_107 : vector<16xi32>
      %gather3A_109 = tpu.vector_load_idx %arg4[%add3A_108, %broadcast_in_dim3A_99] : memref<6x4096xf32, #tpu.memory_space<vmem>>[vector<16xi32>, vector<16xi32>], vector<16xf32>,
      %add3A_110 = arith.constant 2 : i32
      %add3A_111 = vector.broadcast %add3A_110 : i32 to vector<16xi32>
      %add3A_112 = arith.addi %broadcast_in_dim3A_5, %add3A_111 : vector<16xi32>
      %gather3A_113 = tpu.vector_load_idx %arg4[%add3A_112, %broadcast_in_dim3A_99] : memref<6x4096xf32, #tpu.memory_space<vmem>>[vector<16xi32>, vector<16xi32>], vector<16xf32>,
      %add3A_114 = arith.constant 3 : i32
      %add3A_115 = vector.broadcast %add3A_114 : i32 to vector<16xi32>
      %add3A_116 = arith.addi %broadcast_in_dim3A_5, %add3A_115 : vector<16xi32>
      %gather3A_117 = tpu.vector_load_idx %arg4[%add3A_116, %broadcast_in_dim3A_99] : memref<6x4096xf32, #tpu.memory_space<vmem>>[vector<16xi32>, vector<16xi32>], vector<16xf32>,
      %add3A_118 = arith.constant 4 : i32
      %add3A_119 = vector.broadcast %add3A_118 : i32 to vector<16xi32>
      %add3A_120 = arith.addi %broadcast_in_dim3A_5, %add3A_119 : vector<16xi32>
      %gather3A_121 = tpu.vector_load_idx %arg4[%add3A_120, %broadcast_in_dim3A_99] : memref<6x4096xf32, #tpu.memory_space<vmem>>[vector<16xi32>, vector<16xi32>], vector<16xf32>,
      %shift_right_logical3A_122 = arith.constant 13 : i32
      %shift_right_logical3A_123 = vector.broadcast %shift_right_logical3A_122 : i32 to vector<16xi32>
      %shift_right_logical3A_124 = arith.shrui %bitcast3A_104, %shift_right_logical3A_123 : vector<16xi32>
      %and3A_125 = arith.constant 8191 : i32
      %and3A_126 = vector.broadcast %and3A_125 : i32 to vector<16xi32>
      %and3A_127 = arith.andi %bitcast3A_104, %and3A_126 : vector<16xi32>
      %shift_right_logical3A_128 = arith.constant 22 : i32
      %shift_right_logical3A_129 = vector.broadcast %shift_right_logical3A_128 : i32 to vector<16xi32>
      %shift_right_logical3A_130 = arith.shrui %bitcast3A_104, %shift_right_logical3A_129 : vector<16xi32>
      %add3A_131 = arith.constant 2 : i32
      %add3A_132 = arith.addi %add3A_49, %add3A_131 : i32
      %broadcast_in_dim3A_133 = vector.broadcast %add3A_132 : i32 to vector<16xi32>
      %add3A_134 = arith.constant 5 : i32
      %add3A_135 = vector.broadcast %add3A_134 : i32 to vector<16xi32>
      %add3A_136 = arith.addi %broadcast_in_dim3A_5, %add3A_135 : vector<16xi32>
      %gather3A_137 = tpu.vector_load_idx %arg4[%add3A_136, %broadcast_in_dim3A_133] : memref<6x4096xf32, #tpu.memory_space<vmem>>[vector<16xi32>, vector<16xi32>], vector<16xf32>,
      %bitcast3A_138 = vector.bitcast %gather3A_137 : vector<16xf32> to vector<16xi32>
      %gather3A_139 = tpu.vector_load_idx %arg4[%broadcast_in_dim3A_5, %broadcast_in_dim3A_133] : memref<6x4096xf32, #tpu.memory_space<vmem>>[vector<16xi32>, vector<16xi32>], vector<16xf32>,
      %add3A_140 = arith.constant 1 : i32
      %add3A_141 = vector.broadcast %add3A_140 : i32 to vector<16xi32>
      %add3A_142 = arith.addi %broadcast_in_dim3A_5, %add3A_141 : vector<16xi32>
      %gather3A_143 = tpu.vector_load_idx %arg4[%add3A_142, %broadcast_in_dim3A_133] : memref<6x4096xf32, #tpu.memory_space<vmem>>[vector<16xi32>, vector<16xi32>], vector<16xf32>,
      %add3A_144 = arith.constant 2 : i32
      %add3A_145 = vector.broadcast %add3A_144 : i32 to vector<16xi32>
      %add3A_146 = arith.addi %broadcast_in_dim3A_5, %add3A_145 : vector<16xi32>
      %gather3A_147 = tpu.vector_load_idx %arg4[%add3A_146, %broadcast_in_dim3A_133] : memref<6x4096xf32, #tpu.memory_space<vmem>>[vector<16xi32>, vector<16xi32>], vector<16xf32>,
      %add3A_148 = arith.constant 3 : i32
      %add3A_149 = vector.broadcast %add3A_148 : i32 to vector<16xi32>
      %add3A_150 = arith.addi %broadcast_in_dim3A_5, %add3A_149 : vector<16xi32>
      %gather3A_151 = tpu.vector_load_idx %arg4[%add3A_150, %broadcast_in_dim3A_133] : memref<6x4096xf32, #tpu.memory_space<vmem>>[vector<16xi32>, vector<16xi32>], vector<16xf32>,
      %add3A_152 = arith.constant 4 : i32
      %add3A_153 = vector.broadcast %add3A_152 : i32 to vector<16xi32>
      %add3A_154 = arith.addi %broadcast_in_dim3A_5, %add3A_153 : vector<16xi32>
      %gather3A_155 = tpu.vector_load_idx %arg4[%add3A_154, %broadcast_in_dim3A_133] : memref<6x4096xf32, #tpu.memory_space<vmem>>[vector<16xi32>, vector<16xi32>], vector<16xf32>,
      %shift_right_logical3A_156 = arith.constant 13 : i32
      %shift_right_logical3A_157 = vector.broadcast %shift_right_logical3A_156 : i32 to vector<16xi32>
      %shift_right_logical3A_158 = arith.shrui %bitcast3A_138, %shift_right_logical3A_157 : vector<16xi32>
      %and3A_159 = arith.constant 8191 : i32
      %and3A_160 = vector.broadcast %and3A_159 : i32 to vector<16xi32>
      %and3A_161 = arith.andi %bitcast3A_138, %and3A_160 : vector<16xi32>
      %shift_right_logical3A_162 = arith.constant 22 : i32
      %shift_right_logical3A_163 = vector.broadcast %shift_right_logical3A_162 : i32 to vector<16xi32>
      %shift_right_logical3A_164 = arith.shrui %bitcast3A_138, %shift_right_logical3A_163 : vector<16xi32>
      %add3A_165 = arith.constant 3 : i32
      %add3A_166 = arith.addi %add3A_49, %add3A_165 : i32
      %broadcast_in_dim3A_167 = vector.broadcast %add3A_166 : i32 to vector<16xi32>
      %add3A_168 = arith.constant 5 : i32
      %add3A_169 = vector.broadcast %add3A_168 : i32 to vector<16xi32>
      %add3A_170 = arith.addi %broadcast_in_dim3A_5, %add3A_169 : vector<16xi32>
      %gather3A_171 = tpu.vector_load_idx %arg4[%add3A_170, %broadcast_in_dim3A_167] : memref<6x4096xf32, #tpu.memory_space<vmem>>[vector<16xi32>, vector<16xi32>], vector<16xf32>,
      %bitcast3A_172 = vector.bitcast %gather3A_171 : vector<16xf32> to vector<16xi32>
      %gather3A_173 = tpu.vector_load_idx %arg4[%broadcast_in_dim3A_5, %broadcast_in_dim3A_167] : memref<6x4096xf32, #tpu.memory_space<vmem>>[vector<16xi32>, vector<16xi32>], vector<16xf32>,
      %add3A_174 = arith.constant 1 : i32
      %add3A_175 = vector.broadcast %add3A_174 : i32 to vector<16xi32>
      %add3A_176 = arith.addi %broadcast_in_dim3A_5, %add3A_175 : vector<16xi32>
      %gather3A_177 = tpu.vector_load_idx %arg4[%add3A_176, %broadcast_in_dim3A_167] : memref<6x4096xf32, #tpu.memory_space<vmem>>[vector<16xi32>, vector<16xi32>], vector<16xf32>,
      %add3A_178 = arith.constant 2 : i32
      %add3A_179 = vector.broadcast %add3A_178 : i32 to vector<16xi32>
      %add3A_180 = arith.addi %broadcast_in_dim3A_5, %add3A_179 : vector<16xi32>
      %gather3A_181 = tpu.vector_load_idx %arg4[%add3A_180, %broadcast_in_dim3A_167] : memref<6x4096xf32, #tpu.memory_space<vmem>>[vector<16xi32>, vector<16xi32>], vector<16xf32>,
      %add3A_182 = arith.constant 3 : i32
      %add3A_183 = vector.broadcast %add3A_182 : i32 to vector<16xi32>
      %add3A_184 = arith.addi %broadcast_in_dim3A_5, %add3A_183 : vector<16xi32>
      %gather3A_185 = tpu.vector_load_idx %arg4[%add3A_184, %broadcast_in_dim3A_167] : memref<6x4096xf32, #tpu.memory_space<vmem>>[vector<16xi32>, vector<16xi32>], vector<16xf32>,
      %add3A_186 = arith.constant 4 : i32
      %add3A_187 = vector.broadcast %add3A_186 : i32 to vector<16xi32>
      %add3A_188 = arith.addi %broadcast_in_dim3A_5, %add3A_187 : vector<16xi32>
      %gather3A_189 = tpu.vector_load_idx %arg4[%add3A_188, %broadcast_in_dim3A_167] : memref<6x4096xf32, #tpu.memory_space<vmem>>[vector<16xi32>, vector<16xi32>], vector<16xf32>,
      %shift_right_logical3A_190 = arith.constant 13 : i32
      %shift_right_logical3A_191 = vector.broadcast %shift_right_logical3A_190 : i32 to vector<16xi32>
      %shift_right_logical3A_192 = arith.shrui %bitcast3A_172, %shift_right_logical3A_191 : vector<16xi32>
      %and3A_193 = arith.constant 8191 : i32
      %and3A_194 = vector.broadcast %and3A_193 : i32 to vector<16xi32>
      %and3A_195 = arith.andi %bitcast3A_172, %and3A_194 : vector<16xi32>
      %shift_right_logical3A_196 = arith.constant 22 : i32
      %shift_right_logical3A_197 = vector.broadcast %shift_right_logical3A_196 : i32 to vector<16xi32>
      %shift_right_logical3A_198 = arith.shrui %bitcast3A_172, %shift_right_logical3A_197 : vector<16xi32>
      %add3A_199 = arith.constant 1 : i32
      %add3A_200 = arith.addi %add3A_49, %add3A_199 : i32
      %and3A_201 = arith.constant -16 : i32
      %and3A_202 = arith.andi %add3A_200, %and3A_201 : i32
      %sub3A_203 = arith.subi %reduce_sum3A_64, %and3A_202 : i32
      %add3A_204 = arith.constant 15 : i32
      %add3A_205 = arith.addi %sub3A_203, %add3A_204 : i32
      %shift_right_arithmetic3A = arith.constant 4 : i32
      %shift_right_arithmetic3A_206 = arith.shrsi %add3A_205, %shift_right_arithmetic3A : i32
      %add3A_207 = arith.constant 19 : i32
      %add3A_208 = arith.addi %add3A_49, %add3A_207 : i32
      %sub3A_209 = arith.subi %add3A_208, %and3A_202 : i32
      %shift_right_arithmetic3A_210 = arith.constant 4 : i32
      %shift_right_arithmetic3A_211 = arith.shrsi %sub3A_209, %shift_right_arithmetic3A_210 : i32
      %while3A = arith.constant 0 : i32
      %while3A_212 = arith.subi %shift_right_arithmetic3A_211, %while3A : i32
      %while3A_213 = arith.addi %while3A, %while3A_212 : i32
      %while3A_214 = arith.constant 1 : i32
      %while3A_215 = arith.divsi %while3A_212, %while3A_214 : i32
      %while3A_216 = arith.muli %while3A_215, %while3A_214 : i32
      %while3A_217 = arith.addi %while3A, %while3A_216 : i32
      %while3A_218 = arith.constant 1 : i32
      %while3A_219:4 = scf.for %while3A_252 = %while3A to %while3A_217 step %while3A_218 iter_args(%while3A_253 = %broadcast_in_dim3A_3, %while3A_254 = %broadcast_in_dim3A_3, %while3A_255 = %broadcast_in_dim3A_3, %while3A_256 = %broadcast_in_dim3A_3) -> (vector<16xf32>, vector<16xf32>, vector<16xf32>, vector<16xf32>)  : i32 {
        %mul3A_257 = arith.constant 16 : i32
        %mul3A_258 = arith.muli %while3A_252, %mul3A_257 : i32
        %add3A_259 = arith.addi %and3A_202, %mul3A_258 : i32
        %add3A_260 = vector.broadcast %add3A_259 : i32 to vector<16xi32>
        %add3A_261 = arith.addi %add3A_260, %iota3A : vector<16xi32>
        %get3A_262 = arith.constant 0 : i32
        %get3A_263 = arith.index_cast %get3A_262 : i32 to index
        %get3A_264 = arith.index_cast %add3A_259 : i32 to index
        %get3A_265 = tpu.vector_load %arg4[%get3A_263, %get3A_264] {strides = array<i32>} : memref<6x4096xf32, #tpu.memory_space<vmem>>, vector<16xf32>,
        %get3A_266 = arith.constant 1 : i32
        %get3A_267 = arith.index_cast %get3A_266 : i32 to index
        %get3A_268 = arith.index_cast %add3A_259 : i32 to index
        %get3A_269 = tpu.vector_load %arg4[%get3A_267, %get3A_268] {strides = array<i32>} : memref<6x4096xf32, #tpu.memory_space<vmem>>, vector<16xf32>,
        %get3A_270 = arith.constant 2 : i32
        %get3A_271 = arith.index_cast %get3A_270 : i32 to index
        %get3A_272 = arith.index_cast %add3A_259 : i32 to index
        %get3A_273 = tpu.vector_load %arg4[%get3A_271, %get3A_272] {strides = array<i32>} : memref<6x4096xf32, #tpu.memory_space<vmem>>, vector<16xf32>,
        %get3A_274 = arith.constant 3 : i32
        %get3A_275 = arith.index_cast %get3A_274 : i32 to index
        %get3A_276 = arith.index_cast %add3A_259 : i32 to index
        %get3A_277 = tpu.vector_load %arg4[%get3A_275, %get3A_276] {strides = array<i32>} : memref<6x4096xf32, #tpu.memory_space<vmem>>, vector<16xf32>,
        %get3A_278 = arith.constant 4 : i32
        %get3A_279 = arith.index_cast %get3A_278 : i32 to index
        %get3A_280 = arith.index_cast %add3A_259 : i32 to index
        %get3A_281 = tpu.vector_load %arg4[%get3A_279, %get3A_280] {strides = array<i32>} : memref<6x4096xf32, #tpu.memory_space<vmem>>, vector<16xf32>,
        %get3A_282 = arith.constant 5 : i32
        %get3A_283 = arith.index_cast %get3A_282 : i32 to index
        %get3A_284 = arith.index_cast %add3A_259 : i32 to index
        %get3A_285 = tpu.vector_load %arg4[%get3A_283, %get3A_284] {strides = array<i32>} : memref<6x4096xf32, #tpu.memory_space<vmem>>, vector<16xf32>,
        %bitcast3A_286 = vector.bitcast %get3A_285 : vector<16xf32> to vector<16xi32>
        %shift_right_logical3A_287 = arith.constant 13 : i32
        %shift_right_logical3A_288 = vector.broadcast %shift_right_logical3A_287 : i32 to vector<16xi32>
        %shift_right_logical3A_289 = arith.shrui %bitcast3A_286, %shift_right_logical3A_288 : vector<16xi32>
        %sub3A_290 = arith.subf %gather3A_72, %get3A_265 : vector<16xf32>
        %sub3A_291 = arith.subf %gather3A_76, %get3A_269 : vector<16xf32>
        %sub3A_292 = arith.subf %gather3A_80, %get3A_273 : vector<16xf32>
        %mul3A_293 = arith.mulf %sub3A_290, %sub3A_290 : vector<16xf32>
        %mul3A_294 = arith.mulf %sub3A_291, %sub3A_291 : vector<16xf32>
        %add3A_295 = arith.addf %mul3A_293, %mul3A_294 : vector<16xf32>
        %mul3A_296 = arith.mulf %sub3A_292, %sub3A_292 : vector<16xf32>
        %add3A_297 = arith.addf %add3A_295, %mul3A_296 : vector<16xf32>
        %max3A = arith.constant 0.00999999977 : f32
        %max3A_298 = vector.broadcast %max3A : f32 to vector<16xf32>
        %max3A_299 = arith.maximumf %add3A_297, %max3A_298 : vector<16xf32>
        %add3A_300 = arith.addf %gather3A_84, %get3A_277 : vector<16xf32>
        %mul3A_301 = arith.mulf %add3A_300, %add3A_300 : vector<16xf32>
        %div3A = arith.divf %mul3A_301, %max3A_299 : vector<16xf32>
        %mul3A_302 = arith.mulf %div3A, %div3A : vector<16xf32>
        %mul3A_303 = arith.mulf %mul3A_302, %div3A : vector<16xf32>
        %sub3A_304 = arith.constant 2.000000e+00 : f32
        %sub3A_305 = vector.broadcast %sub3A_304 : f32 to vector<16xf32>
        %sub3A_306 = arith.subf %mul3A_303, %sub3A_305 : vector<16xf32>
        %mul3A_307 = arith.mulf %mul3A_303, %sub3A_306 : vector<16xf32>
        %mul3A_308 = arith.mulf %get3A_281, %mul3A_307 : vector<16xf32>
        %lt3A = arith.cmpi slt, %add3A_261, %and3A_93 : vector<16xi32>
        %ne3A = arith.cmpi ne, %shift_right_logical3A_289, %shift_right_logical3A_90 : vector<16xi32>
        %and3A_309 = arith.andi %lt3A, %ne3A : vector<16xi1>
        %add3A_310 = arith.constant 0 : i32
        %add3A_311 = arith.addi %add3A_49, %add3A_310 : i32
        %gt3A = vector.broadcast %add3A_311 : i32 to vector<16xi32>
        %gt3A_312 = arith.cmpi sgt, %add3A_261, %gt3A : vector<16xi32>
        %and3A_313 = arith.andi %and3A_309, %gt3A_312 : vector<16xi1>
        %jit3A = arith.constant 0.000000e+00 : f32
        %broadcast_in_dim3A_314 = vector.broadcast %jit3A : f32 to vector<16xf32>
        %select_n3A_315 = arith.select %and3A_313, %mul3A_308, %broadcast_in_dim3A_314 : vector<16xi1>, vector<16xf32>
        %add3A_316 = arith.addf %while3A_253, %select_n3A_315 : vector<16xf32>
        %sub3A_317 = arith.subf %gather3A_105, %get3A_265 : vector<16xf32>
        %sub3A_318 = arith.subf %gather3A_109, %get3A_269 : vector<16xf32>
        %sub3A_319 = arith.subf %gather3A_113, %get3A_273 : vector<16xf32>
        %mul3A_320 = arith.mulf %sub3A_317, %sub3A_317 : vector<16xf32>
        %mul3A_321 = arith.mulf %sub3A_318, %sub3A_318 : vector<16xf32>
        %add3A_322 = arith.addf %mul3A_320, %mul3A_321 : vector<16xf32>
        %mul3A_323 = arith.mulf %sub3A_319, %sub3A_319 : vector<16xf32>
        %add3A_324 = arith.addf %add3A_322, %mul3A_323 : vector<16xf32>
        %max3A_325 = arith.constant 0.00999999977 : f32
        %max3A_326 = vector.broadcast %max3A_325 : f32 to vector<16xf32>
        %max3A_327 = arith.maximumf %add3A_324, %max3A_326 : vector<16xf32>
        %add3A_328 = arith.addf %gather3A_117, %get3A_277 : vector<16xf32>
        %mul3A_329 = arith.mulf %add3A_328, %add3A_328 : vector<16xf32>
        %div3A_330 = arith.divf %mul3A_329, %max3A_327 : vector<16xf32>
        %mul3A_331 = arith.mulf %div3A_330, %div3A_330 : vector<16xf32>
        %mul3A_332 = arith.mulf %mul3A_331, %div3A_330 : vector<16xf32>
        %sub3A_333 = arith.constant 2.000000e+00 : f32
        %sub3A_334 = vector.broadcast %sub3A_333 : f32 to vector<16xf32>
        %sub3A_335 = arith.subf %mul3A_332, %sub3A_334 : vector<16xf32>
        %mul3A_336 = arith.mulf %mul3A_332, %sub3A_335 : vector<16xf32>
        %mul3A_337 = arith.mulf %get3A_281, %mul3A_336 : vector<16xf32>
        %lt3A_338 = arith.cmpi slt, %add3A_261, %and3A_127 : vector<16xi32>
        %ne3A_339 = arith.cmpi ne, %shift_right_logical3A_289, %shift_right_logical3A_124 : vector<16xi32>
        %and3A_340 = arith.andi %lt3A_338, %ne3A_339 : vector<16xi1>
        %add3A_341 = arith.constant 1 : i32
        %add3A_342 = arith.addi %add3A_49, %add3A_341 : i32
        %gt3A_343 = vector.broadcast %add3A_342 : i32 to vector<16xi32>
        %gt3A_344 = arith.cmpi sgt, %add3A_261, %gt3A_343 : vector<16xi32>
        %and3A_345 = arith.andi %and3A_340, %gt3A_344 : vector<16xi1>
        %jit3A_346 = arith.constant 0.000000e+00 : f32
        %broadcast_in_dim3A_347 = vector.broadcast %jit3A_346 : f32 to vector<16xf32>
        %select_n3A_348 = arith.select %and3A_345, %mul3A_337, %broadcast_in_dim3A_347 : vector<16xi1>, vector<16xf32>
        %add3A_349 = arith.addf %while3A_254, %select_n3A_348 : vector<16xf32>
        %sub3A_350 = arith.subf %gather3A_139, %get3A_265 : vector<16xf32>
        %sub3A_351 = arith.subf %gather3A_143, %get3A_269 : vector<16xf32>
        %sub3A_352 = arith.subf %gather3A_147, %get3A_273 : vector<16xf32>
        %mul3A_353 = arith.mulf %sub3A_350, %sub3A_350 : vector<16xf32>
        %mul3A_354 = arith.mulf %sub3A_351, %sub3A_351 : vector<16xf32>
        %add3A_355 = arith.addf %mul3A_353, %mul3A_354 : vector<16xf32>
        %mul3A_356 = arith.mulf %sub3A_352, %sub3A_352 : vector<16xf32>
        %add3A_357 = arith.addf %add3A_355, %mul3A_356 : vector<16xf32>
        %max3A_358 = arith.constant 0.00999999977 : f32
        %max3A_359 = vector.broadcast %max3A_358 : f32 to vector<16xf32>
        %max3A_360 = arith.maximumf %add3A_357, %max3A_359 : vector<16xf32>
        %add3A_361 = arith.addf %gather3A_151, %get3A_277 : vector<16xf32>
        %mul3A_362 = arith.mulf %add3A_361, %add3A_361 : vector<16xf32>
        %div3A_363 = arith.divf %mul3A_362, %max3A_360 : vector<16xf32>
        %mul3A_364 = arith.mulf %div3A_363, %div3A_363 : vector<16xf32>
        %mul3A_365 = arith.mulf %mul3A_364, %div3A_363 : vector<16xf32>
        %sub3A_366 = arith.constant 2.000000e+00 : f32
        %sub3A_367 = vector.broadcast %sub3A_366 : f32 to vector<16xf32>
        %sub3A_368 = arith.subf %mul3A_365, %sub3A_367 : vector<16xf32>
        %mul3A_369 = arith.mulf %mul3A_365, %sub3A_368 : vector<16xf32>
        %mul3A_370 = arith.mulf %get3A_281, %mul3A_369 : vector<16xf32>
        %lt3A_371 = arith.cmpi slt, %add3A_261, %and3A_161 : vector<16xi32>
        %ne3A_372 = arith.cmpi ne, %shift_right_logical3A_289, %shift_right_logical3A_158 : vector<16xi32>
        %and3A_373 = arith.andi %lt3A_371, %ne3A_372 : vector<16xi1>
        %add3A_374 = arith.constant 2 : i32
        %add3A_375 = arith.addi %add3A_49, %add3A_374 : i32
        %gt3A_376 = vector.broadcast %add3A_375 : i32 to vector<16xi32>
        %gt3A_377 = arith.cmpi sgt, %add3A_261, %gt3A_376 : vector<16xi32>
        %and3A_378 = arith.andi %and3A_373, %gt3A_377 : vector<16xi1>
        %jit3A_379 = arith.constant 0.000000e+00 : f32
        %broadcast_in_dim3A_380 = vector.broadcast %jit3A_379 : f32 to vector<16xf32>
        %select_n3A_381 = arith.select %and3A_378, %mul3A_370, %broadcast_in_dim3A_380 : vector<16xi1>, vector<16xf32>
        %add3A_382 = arith.addf %while3A_255, %select_n3A_381 : vector<16xf32>
        %sub3A_383 = arith.subf %gather3A_173, %get3A_265 : vector<16xf32>
        %sub3A_384 = arith.subf %gather3A_177, %get3A_269 : vector<16xf32>
        %sub3A_385 = arith.subf %gather3A_181, %get3A_273 : vector<16xf32>
        %mul3A_386 = arith.mulf %sub3A_383, %sub3A_383 : vector<16xf32>
        %mul3A_387 = arith.mulf %sub3A_384, %sub3A_384 : vector<16xf32>
        %add3A_388 = arith.addf %mul3A_386, %mul3A_387 : vector<16xf32>
        %mul3A_389 = arith.mulf %sub3A_385, %sub3A_385 : vector<16xf32>
        %add3A_390 = arith.addf %add3A_388, %mul3A_389 : vector<16xf32>
        %max3A_391 = arith.constant 0.00999999977 : f32
        %max3A_392 = vector.broadcast %max3A_391 : f32 to vector<16xf32>
        %max3A_393 = arith.maximumf %add3A_390, %max3A_392 : vector<16xf32>
        %add3A_394 = arith.addf %gather3A_185, %get3A_277 : vector<16xf32>
        %mul3A_395 = arith.mulf %add3A_394, %add3A_394 : vector<16xf32>
        %div3A_396 = arith.divf %mul3A_395, %max3A_393 : vector<16xf32>
        %mul3A_397 = arith.mulf %div3A_396, %div3A_396 : vector<16xf32>
        %mul3A_398 = arith.mulf %mul3A_397, %div3A_396 : vector<16xf32>
        %sub3A_399 = arith.constant 2.000000e+00 : f32
        %sub3A_400 = vector.broadcast %sub3A_399 : f32 to vector<16xf32>
        %sub3A_401 = arith.subf %mul3A_398, %sub3A_400 : vector<16xf32>
        %mul3A_402 = arith.mulf %mul3A_398, %sub3A_401 : vector<16xf32>
        %mul3A_403 = arith.mulf %get3A_281, %mul3A_402 : vector<16xf32>
        %lt3A_404 = arith.cmpi slt, %add3A_261, %and3A_195 : vector<16xi32>
        %ne3A_405 = arith.cmpi ne, %shift_right_logical3A_289, %shift_right_logical3A_192 : vector<16xi32>
        %and3A_406 = arith.andi %lt3A_404, %ne3A_405 : vector<16xi1>
        %add3A_407 = arith.constant 3 : i32
        %add3A_408 = arith.addi %add3A_49, %add3A_407 : i32
        %gt3A_409 = vector.broadcast %add3A_408 : i32 to vector<16xi32>
        %gt3A_410 = arith.cmpi sgt, %add3A_261, %gt3A_409 : vector<16xi32>
        %and3A_411 = arith.andi %and3A_406, %gt3A_410 : vector<16xi1>
        %jit3A_412 = arith.constant 0.000000e+00 : f32
        %broadcast_in_dim3A_413 = vector.broadcast %jit3A_412 : f32 to vector<16xf32>
        %select_n3A_414 = arith.select %and3A_411, %mul3A_403, %broadcast_in_dim3A_413 : vector<16xi1>, vector<16xf32>
        %add3A_415 = arith.addf %while3A_256, %select_n3A_414 : vector<16xf32>
        scf.yield %add3A_316, %add3A_349, %add3A_382, %add3A_415 : vector<16xf32>, vector<16xf32>, vector<16xf32>, vector<16xf32>
      }
      %while3A_220 = arith.constant 1 : i32
      %while3A_221:4 = scf.for %while3A_252 = %while3A_217 to %while3A_213 step %while3A_220 iter_args(%while3A_253 = %while3A_219#0, %while3A_254 = %while3A_219#1, %while3A_255 = %while3A_219#2, %while3A_256 = %while3A_219#3) -> (vector<16xf32>, vector<16xf32>, vector<16xf32>, vector<16xf32>)  : i32 {
        %mul3A_257 = arith.constant 16 : i32
        %mul3A_258 = arith.muli %while3A_252, %mul3A_257 : i32
        %add3A_259 = arith.addi %and3A_202, %mul3A_258 : i32
        %add3A_260 = vector.broadcast %add3A_259 : i32 to vector<16xi32>
        %add3A_261 = arith.addi %add3A_260, %iota3A : vector<16xi32>
        %get3A_262 = arith.constant 0 : i32
        %get3A_263 = arith.index_cast %get3A_262 : i32 to index
        %get3A_264 = arith.index_cast %add3A_259 : i32 to index
        %get3A_265 = tpu.vector_load %arg4[%get3A_263, %get3A_264] {strides = array<i32>} : memref<6x4096xf32, #tpu.memory_space<vmem>>, vector<16xf32>,
        %get3A_266 = arith.constant 1 : i32
        %get3A_267 = arith.index_cast %get3A_266 : i32 to index
        %get3A_268 = arith.index_cast %add3A_259 : i32 to index
        %get3A_269 = tpu.vector_load %arg4[%get3A_267, %get3A_268] {strides = array<i32>} : memref<6x4096xf32, #tpu.memory_space<vmem>>, vector<16xf32>,
        %get3A_270 = arith.constant 2 : i32
        %get3A_271 = arith.index_cast %get3A_270 : i32 to index
        %get3A_272 = arith.index_cast %add3A_259 : i32 to index
        %get3A_273 = tpu.vector_load %arg4[%get3A_271, %get3A_272] {strides = array<i32>} : memref<6x4096xf32, #tpu.memory_space<vmem>>, vector<16xf32>,
        %get3A_274 = arith.constant 3 : i32
        %get3A_275 = arith.index_cast %get3A_274 : i32 to index
        %get3A_276 = arith.index_cast %add3A_259 : i32 to index
        %get3A_277 = tpu.vector_load %arg4[%get3A_275, %get3A_276] {strides = array<i32>} : memref<6x4096xf32, #tpu.memory_space<vmem>>, vector<16xf32>,
        %get3A_278 = arith.constant 4 : i32
        %get3A_279 = arith.index_cast %get3A_278 : i32 to index
        %get3A_280 = arith.index_cast %add3A_259 : i32 to index
        %get3A_281 = tpu.vector_load %arg4[%get3A_279, %get3A_280] {strides = array<i32>} : memref<6x4096xf32, #tpu.memory_space<vmem>>, vector<16xf32>,
        %get3A_282 = arith.constant 5 : i32
        %get3A_283 = arith.index_cast %get3A_282 : i32 to index
        %get3A_284 = arith.index_cast %add3A_259 : i32 to index
        %get3A_285 = tpu.vector_load %arg4[%get3A_283, %get3A_284] {strides = array<i32>} : memref<6x4096xf32, #tpu.memory_space<vmem>>, vector<16xf32>,
        %bitcast3A_286 = vector.bitcast %get3A_285 : vector<16xf32> to vector<16xi32>
        %shift_right_logical3A_287 = arith.constant 13 : i32
        %shift_right_logical3A_288 = vector.broadcast %shift_right_logical3A_287 : i32 to vector<16xi32>
        %shift_right_logical3A_289 = arith.shrui %bitcast3A_286, %shift_right_logical3A_288 : vector<16xi32>
        %sub3A_290 = arith.subf %gather3A_72, %get3A_265 : vector<16xf32>
        %sub3A_291 = arith.subf %gather3A_76, %get3A_269 : vector<16xf32>
        %sub3A_292 = arith.subf %gather3A_80, %get3A_273 : vector<16xf32>
        %mul3A_293 = arith.mulf %sub3A_290, %sub3A_290 : vector<16xf32>
        %mul3A_294 = arith.mulf %sub3A_291, %sub3A_291 : vector<16xf32>
        %add3A_295 = arith.addf %mul3A_293, %mul3A_294 : vector<16xf32>
        %mul3A_296 = arith.mulf %sub3A_292, %sub3A_292 : vector<16xf32>
        %add3A_297 = arith.addf %add3A_295, %mul3A_296 : vector<16xf32>
        %max3A = arith.constant 0.00999999977 : f32
        %max3A_298 = vector.broadcast %max3A : f32 to vector<16xf32>
        %max3A_299 = arith.maximumf %add3A_297, %max3A_298 : vector<16xf32>
        %add3A_300 = arith.addf %gather3A_84, %get3A_277 : vector<16xf32>
        %mul3A_301 = arith.mulf %add3A_300, %add3A_300 : vector<16xf32>
        %div3A = arith.divf %mul3A_301, %max3A_299 : vector<16xf32>
        %mul3A_302 = arith.mulf %div3A, %div3A : vector<16xf32>
        %mul3A_303 = arith.mulf %mul3A_302, %div3A : vector<16xf32>
        %sub3A_304 = arith.constant 2.000000e+00 : f32
        %sub3A_305 = vector.broadcast %sub3A_304 : f32 to vector<16xf32>
        %sub3A_306 = arith.subf %mul3A_303, %sub3A_305 : vector<16xf32>
        %mul3A_307 = arith.mulf %mul3A_303, %sub3A_306 : vector<16xf32>
        %mul3A_308 = arith.mulf %get3A_281, %mul3A_307 : vector<16xf32>
        %lt3A = arith.cmpi slt, %add3A_261, %and3A_93 : vector<16xi32>
        %ne3A = arith.cmpi ne, %shift_right_logical3A_289, %shift_right_logical3A_90 : vector<16xi32>
        %and3A_309 = arith.andi %lt3A, %ne3A : vector<16xi1>
        %add3A_310 = arith.constant 0 : i32
        %add3A_311 = arith.addi %add3A_49, %add3A_310 : i32
        %gt3A = vector.broadcast %add3A_311 : i32 to vector<16xi32>
        %gt3A_312 = arith.cmpi sgt, %add3A_261, %gt3A : vector<16xi32>
        %and3A_313 = arith.andi %and3A_309, %gt3A_312 : vector<16xi1>
        %jit3A = arith.constant 0.000000e+00 : f32
        %broadcast_in_dim3A_314 = vector.broadcast %jit3A : f32 to vector<16xf32>
        %select_n3A_315 = arith.select %and3A_313, %mul3A_308, %broadcast_in_dim3A_314 : vector<16xi1>, vector<16xf32>
        %add3A_316 = arith.addf %while3A_253, %select_n3A_315 : vector<16xf32>
        %sub3A_317 = arith.subf %gather3A_105, %get3A_265 : vector<16xf32>
        %sub3A_318 = arith.subf %gather3A_109, %get3A_269 : vector<16xf32>
        %sub3A_319 = arith.subf %gather3A_113, %get3A_273 : vector<16xf32>
        %mul3A_320 = arith.mulf %sub3A_317, %sub3A_317 : vector<16xf32>
        %mul3A_321 = arith.mulf %sub3A_318, %sub3A_318 : vector<16xf32>
        %add3A_322 = arith.addf %mul3A_320, %mul3A_321 : vector<16xf32>
        %mul3A_323 = arith.mulf %sub3A_319, %sub3A_319 : vector<16xf32>
        %add3A_324 = arith.addf %add3A_322, %mul3A_323 : vector<16xf32>
        %max3A_325 = arith.constant 0.00999999977 : f32
        %max3A_326 = vector.broadcast %max3A_325 : f32 to vector<16xf32>
        %max3A_327 = arith.maximumf %add3A_324, %max3A_326 : vector<16xf32>
        %add3A_328 = arith.addf %gather3A_117, %get3A_277 : vector<16xf32>
        %mul3A_329 = arith.mulf %add3A_328, %add3A_328 : vector<16xf32>
        %div3A_330 = arith.divf %mul3A_329, %max3A_327 : vector<16xf32>
        %mul3A_331 = arith.mulf %div3A_330, %div3A_330 : vector<16xf32>
        %mul3A_332 = arith.mulf %mul3A_331, %div3A_330 : vector<16xf32>
        %sub3A_333 = arith.constant 2.000000e+00 : f32
        %sub3A_334 = vector.broadcast %sub3A_333 : f32 to vector<16xf32>
        %sub3A_335 = arith.subf %mul3A_332, %sub3A_334 : vector<16xf32>
        %mul3A_336 = arith.mulf %mul3A_332, %sub3A_335 : vector<16xf32>
        %mul3A_337 = arith.mulf %get3A_281, %mul3A_336 : vector<16xf32>
        %lt3A_338 = arith.cmpi slt, %add3A_261, %and3A_127 : vector<16xi32>
        %ne3A_339 = arith.cmpi ne, %shift_right_logical3A_289, %shift_right_logical3A_124 : vector<16xi32>
        %and3A_340 = arith.andi %lt3A_338, %ne3A_339 : vector<16xi1>
        %add3A_341 = arith.constant 1 : i32
        %add3A_342 = arith.addi %add3A_49, %add3A_341 : i32
        %gt3A_343 = vector.broadcast %add3A_342 : i32 to vector<16xi32>
        %gt3A_344 = arith.cmpi sgt, %add3A_261, %gt3A_343 : vector<16xi32>
        %and3A_345 = arith.andi %and3A_340, %gt3A_344 : vector<16xi1>
        %jit3A_346 = arith.constant 0.000000e+00 : f32
        %broadcast_in_dim3A_347 = vector.broadcast %jit3A_346 : f32 to vector<16xf32>
        %select_n3A_348 = arith.select %and3A_345, %mul3A_337, %broadcast_in_dim3A_347 : vector<16xi1>, vector<16xf32>
        %add3A_349 = arith.addf %while3A_254, %select_n3A_348 : vector<16xf32>
        %sub3A_350 = arith.subf %gather3A_139, %get3A_265 : vector<16xf32>
        %sub3A_351 = arith.subf %gather3A_143, %get3A_269 : vector<16xf32>
        %sub3A_352 = arith.subf %gather3A_147, %get3A_273 : vector<16xf32>
        %mul3A_353 = arith.mulf %sub3A_350, %sub3A_350 : vector<16xf32>
        %mul3A_354 = arith.mulf %sub3A_351, %sub3A_351 : vector<16xf32>
        %add3A_355 = arith.addf %mul3A_353, %mul3A_354 : vector<16xf32>
        %mul3A_356 = arith.mulf %sub3A_352, %sub3A_352 : vector<16xf32>
        %add3A_357 = arith.addf %add3A_355, %mul3A_356 : vector<16xf32>
        %max3A_358 = arith.constant 0.00999999977 : f32
        %max3A_359 = vector.broadcast %max3A_358 : f32 to vector<16xf32>
        %max3A_360 = arith.maximumf %add3A_357, %max3A_359 : vector<16xf32>
        %add3A_361 = arith.addf %gather3A_151, %get3A_277 : vector<16xf32>
        %mul3A_362 = arith.mulf %add3A_361, %add3A_361 : vector<16xf32>
        %div3A_363 = arith.divf %mul3A_362, %max3A_360 : vector<16xf32>
        %mul3A_364 = arith.mulf %div3A_363, %div3A_363 : vector<16xf32>
        %mul3A_365 = arith.mulf %mul3A_364, %div3A_363 : vector<16xf32>
        %sub3A_366 = arith.constant 2.000000e+00 : f32
        %sub3A_367 = vector.broadcast %sub3A_366 : f32 to vector<16xf32>
        %sub3A_368 = arith.subf %mul3A_365, %sub3A_367 : vector<16xf32>
        %mul3A_369 = arith.mulf %mul3A_365, %sub3A_368 : vector<16xf32>
        %mul3A_370 = arith.mulf %get3A_281, %mul3A_369 : vector<16xf32>
        %lt3A_371 = arith.cmpi slt, %add3A_261, %and3A_161 : vector<16xi32>
        %ne3A_372 = arith.cmpi ne, %shift_right_logical3A_289, %shift_right_logical3A_158 : vector<16xi32>
        %and3A_373 = arith.andi %lt3A_371, %ne3A_372 : vector<16xi1>
        %add3A_374 = arith.constant 2 : i32
        %add3A_375 = arith.addi %add3A_49, %add3A_374 : i32
        %gt3A_376 = vector.broadcast %add3A_375 : i32 to vector<16xi32>
        %gt3A_377 = arith.cmpi sgt, %add3A_261, %gt3A_376 : vector<16xi32>
        %and3A_378 = arith.andi %and3A_373, %gt3A_377 : vector<16xi1>
        %jit3A_379 = arith.constant 0.000000e+00 : f32
        %broadcast_in_dim3A_380 = vector.broadcast %jit3A_379 : f32 to vector<16xf32>
        %select_n3A_381 = arith.select %and3A_378, %mul3A_370, %broadcast_in_dim3A_380 : vector<16xi1>, vector<16xf32>
        %add3A_382 = arith.addf %while3A_255, %select_n3A_381 : vector<16xf32>
        %sub3A_383 = arith.subf %gather3A_173, %get3A_265 : vector<16xf32>
        %sub3A_384 = arith.subf %gather3A_177, %get3A_269 : vector<16xf32>
        %sub3A_385 = arith.subf %gather3A_181, %get3A_273 : vector<16xf32>
        %mul3A_386 = arith.mulf %sub3A_383, %sub3A_383 : vector<16xf32>
        %mul3A_387 = arith.mulf %sub3A_384, %sub3A_384 : vector<16xf32>
        %add3A_388 = arith.addf %mul3A_386, %mul3A_387 : vector<16xf32>
        %mul3A_389 = arith.mulf %sub3A_385, %sub3A_385 : vector<16xf32>
        %add3A_390 = arith.addf %add3A_388, %mul3A_389 : vector<16xf32>
        %max3A_391 = arith.constant 0.00999999977 : f32
        %max3A_392 = vector.broadcast %max3A_391 : f32 to vector<16xf32>
        %max3A_393 = arith.maximumf %add3A_390, %max3A_392 : vector<16xf32>
        %add3A_394 = arith.addf %gather3A_185, %get3A_277 : vector<16xf32>
        %mul3A_395 = arith.mulf %add3A_394, %add3A_394 : vector<16xf32>
        %div3A_396 = arith.divf %mul3A_395, %max3A_393 : vector<16xf32>
        %mul3A_397 = arith.mulf %div3A_396, %div3A_396 : vector<16xf32>
        %mul3A_398 = arith.mulf %mul3A_397, %div3A_396 : vector<16xf32>
        %sub3A_399 = arith.constant 2.000000e+00 : f32
        %sub3A_400 = vector.broadcast %sub3A_399 : f32 to vector<16xf32>
        %sub3A_401 = arith.subf %mul3A_398, %sub3A_400 : vector<16xf32>
        %mul3A_402 = arith.mulf %mul3A_398, %sub3A_401 : vector<16xf32>
        %mul3A_403 = arith.mulf %get3A_281, %mul3A_402 : vector<16xf32>
        %lt3A_404 = arith.cmpi slt, %add3A_261, %and3A_195 : vector<16xi32>
        %ne3A_405 = arith.cmpi ne, %shift_right_logical3A_289, %shift_right_logical3A_192 : vector<16xi32>
        %and3A_406 = arith.andi %lt3A_404, %ne3A_405 : vector<16xi1>
        %add3A_407 = arith.constant 3 : i32
        %add3A_408 = arith.addi %add3A_49, %add3A_407 : i32
        %gt3A_409 = vector.broadcast %add3A_408 : i32 to vector<16xi32>
        %gt3A_410 = arith.cmpi sgt, %add3A_261, %gt3A_409 : vector<16xi32>
        %and3A_411 = arith.andi %and3A_406, %gt3A_410 : vector<16xi1>
        %jit3A_412 = arith.constant 0.000000e+00 : f32
        %broadcast_in_dim3A_413 = vector.broadcast %jit3A_412 : f32 to vector<16xf32>
        %select_n3A_414 = arith.select %and3A_411, %mul3A_403, %broadcast_in_dim3A_413 : vector<16xi1>, vector<16xf32>
        %add3A_415 = arith.addf %while3A_256, %select_n3A_414 : vector<16xf32>
        scf.yield %add3A_316, %add3A_349, %add3A_382, %add3A_415 : vector<16xf32>, vector<16xf32>, vector<16xf32>, vector<16xf32>
      }
      %while3A_222 = arith.subi %shift_right_arithmetic3A_206, %shift_right_arithmetic3A_211 : i32
      %while3A_223 = arith.addi %shift_right_arithmetic3A_211, %while3A_222 : i32
      %while3A_224 = arith.constant 1 : i32
      %while3A_225 = arith.divsi %while3A_222, %while3A_224 : i32
      %while3A_226 = arith.muli %while3A_225, %while3A_224 : i32
      %while3A_227 = arith.addi %shift_right_arithmetic3A_211, %while3A_226 : i32
      %while3A_228 = arith.constant 1 : i32
      %while3A_229:4 = scf.for %while3A_252 = %shift_right_arithmetic3A_211 to %while3A_227 step %while3A_228 iter_args(%while3A_253 = %while3A_221#0, %while3A_254 = %while3A_221#1, %while3A_255 = %while3A_221#2, %while3A_256 = %while3A_221#3) -> (vector<16xf32>, vector<16xf32>, vector<16xf32>, vector<16xf32>)  : i32 {
        %mul3A_257 = arith.constant 16 : i32
        %mul3A_258 = arith.muli %while3A_252, %mul3A_257 : i32
        %add3A_259 = arith.addi %and3A_202, %mul3A_258 : i32
        %add3A_260 = vector.broadcast %add3A_259 : i32 to vector<16xi32>
        %add3A_261 = arith.addi %add3A_260, %iota3A : vector<16xi32>
        %get3A_262 = arith.constant 0 : i32
        %get3A_263 = arith.index_cast %get3A_262 : i32 to index
        %get3A_264 = arith.index_cast %add3A_259 : i32 to index
        %get3A_265 = tpu.vector_load %arg4[%get3A_263, %get3A_264] {strides = array<i32>} : memref<6x4096xf32, #tpu.memory_space<vmem>>, vector<16xf32>,
        %get3A_266 = arith.constant 1 : i32
        %get3A_267 = arith.index_cast %get3A_266 : i32 to index
        %get3A_268 = arith.index_cast %add3A_259 : i32 to index
        %get3A_269 = tpu.vector_load %arg4[%get3A_267, %get3A_268] {strides = array<i32>} : memref<6x4096xf32, #tpu.memory_space<vmem>>, vector<16xf32>,
        %get3A_270 = arith.constant 2 : i32
        %get3A_271 = arith.index_cast %get3A_270 : i32 to index
        %get3A_272 = arith.index_cast %add3A_259 : i32 to index
        %get3A_273 = tpu.vector_load %arg4[%get3A_271, %get3A_272] {strides = array<i32>} : memref<6x4096xf32, #tpu.memory_space<vmem>>, vector<16xf32>,
        %get3A_274 = arith.constant 3 : i32
        %get3A_275 = arith.index_cast %get3A_274 : i32 to index
        %get3A_276 = arith.index_cast %add3A_259 : i32 to index
        %get3A_277 = tpu.vector_load %arg4[%get3A_275, %get3A_276] {strides = array<i32>} : memref<6x4096xf32, #tpu.memory_space<vmem>>, vector<16xf32>,
        %get3A_278 = arith.constant 4 : i32
        %get3A_279 = arith.index_cast %get3A_278 : i32 to index
        %get3A_280 = arith.index_cast %add3A_259 : i32 to index
        %get3A_281 = tpu.vector_load %arg4[%get3A_279, %get3A_280] {strides = array<i32>} : memref<6x4096xf32, #tpu.memory_space<vmem>>, vector<16xf32>,
        %get3A_282 = arith.constant 5 : i32
        %get3A_283 = arith.index_cast %get3A_282 : i32 to index
        %get3A_284 = arith.index_cast %add3A_259 : i32 to index
        %get3A_285 = tpu.vector_load %arg4[%get3A_283, %get3A_284] {strides = array<i32>} : memref<6x4096xf32, #tpu.memory_space<vmem>>, vector<16xf32>,
        %bitcast3A_286 = vector.bitcast %get3A_285 : vector<16xf32> to vector<16xi32>
        %shift_right_logical3A_287 = arith.constant 13 : i32
        %shift_right_logical3A_288 = vector.broadcast %shift_right_logical3A_287 : i32 to vector<16xi32>
        %shift_right_logical3A_289 = arith.shrui %bitcast3A_286, %shift_right_logical3A_288 : vector<16xi32>
        %sub3A_290 = arith.subf %gather3A_72, %get3A_265 : vector<16xf32>
        %sub3A_291 = arith.subf %gather3A_76, %get3A_269 : vector<16xf32>
        %sub3A_292 = arith.subf %gather3A_80, %get3A_273 : vector<16xf32>
        %mul3A_293 = arith.mulf %sub3A_290, %sub3A_290 : vector<16xf32>
        %mul3A_294 = arith.mulf %sub3A_291, %sub3A_291 : vector<16xf32>
        %add3A_295 = arith.addf %mul3A_293, %mul3A_294 : vector<16xf32>
        %mul3A_296 = arith.mulf %sub3A_292, %sub3A_292 : vector<16xf32>
        %add3A_297 = arith.addf %add3A_295, %mul3A_296 : vector<16xf32>
        %max3A = arith.constant 0.00999999977 : f32
        %max3A_298 = vector.broadcast %max3A : f32 to vector<16xf32>
        %max3A_299 = arith.maximumf %add3A_297, %max3A_298 : vector<16xf32>
        %add3A_300 = arith.addf %gather3A_84, %get3A_277 : vector<16xf32>
        %mul3A_301 = arith.mulf %add3A_300, %add3A_300 : vector<16xf32>
        %div3A = arith.divf %mul3A_301, %max3A_299 : vector<16xf32>
        %mul3A_302 = arith.mulf %div3A, %div3A : vector<16xf32>
        %mul3A_303 = arith.mulf %mul3A_302, %div3A : vector<16xf32>
        %sub3A_304 = arith.constant 2.000000e+00 : f32
        %sub3A_305 = vector.broadcast %sub3A_304 : f32 to vector<16xf32>
        %sub3A_306 = arith.subf %mul3A_303, %sub3A_305 : vector<16xf32>
        %mul3A_307 = arith.mulf %mul3A_303, %sub3A_306 : vector<16xf32>
        %mul3A_308 = arith.mulf %get3A_281, %mul3A_307 : vector<16xf32>
        %lt3A = arith.cmpi slt, %add3A_261, %and3A_93 : vector<16xi32>
        %ne3A = arith.cmpi ne, %shift_right_logical3A_289, %shift_right_logical3A_90 : vector<16xi32>
        %and3A_309 = arith.andi %lt3A, %ne3A : vector<16xi1>
        %jit3A = arith.constant 0.000000e+00 : f32
        %broadcast_in_dim3A_310 = vector.broadcast %jit3A : f32 to vector<16xf32>
        %select_n3A_311 = arith.select %and3A_309, %mul3A_308, %broadcast_in_dim3A_310 : vector<16xi1>, vector<16xf32>
        %add3A_312 = arith.addf %while3A_253, %select_n3A_311 : vector<16xf32>
        %sub3A_313 = arith.subf %gather3A_105, %get3A_265 : vector<16xf32>
        %sub3A_314 = arith.subf %gather3A_109, %get3A_269 : vector<16xf32>
        %sub3A_315 = arith.subf %gather3A_113, %get3A_273 : vector<16xf32>
        %mul3A_316 = arith.mulf %sub3A_313, %sub3A_313 : vector<16xf32>
        %mul3A_317 = arith.mulf %sub3A_314, %sub3A_314 : vector<16xf32>
        %add3A_318 = arith.addf %mul3A_316, %mul3A_317 : vector<16xf32>
        %mul3A_319 = arith.mulf %sub3A_315, %sub3A_315 : vector<16xf32>
        %add3A_320 = arith.addf %add3A_318, %mul3A_319 : vector<16xf32>
        %max3A_321 = arith.constant 0.00999999977 : f32
        %max3A_322 = vector.broadcast %max3A_321 : f32 to vector<16xf32>
        %max3A_323 = arith.maximumf %add3A_320, %max3A_322 : vector<16xf32>
        %add3A_324 = arith.addf %gather3A_117, %get3A_277 : vector<16xf32>
        %mul3A_325 = arith.mulf %add3A_324, %add3A_324 : vector<16xf32>
        %div3A_326 = arith.divf %mul3A_325, %max3A_323 : vector<16xf32>
        %mul3A_327 = arith.mulf %div3A_326, %div3A_326 : vector<16xf32>
        %mul3A_328 = arith.mulf %mul3A_327, %div3A_326 : vector<16xf32>
        %sub3A_329 = arith.constant 2.000000e+00 : f32
        %sub3A_330 = vector.broadcast %sub3A_329 : f32 to vector<16xf32>
        %sub3A_331 = arith.subf %mul3A_328, %sub3A_330 : vector<16xf32>
        %mul3A_332 = arith.mulf %mul3A_328, %sub3A_331 : vector<16xf32>
        %mul3A_333 = arith.mulf %get3A_281, %mul3A_332 : vector<16xf32>
        %lt3A_334 = arith.cmpi slt, %add3A_261, %and3A_127 : vector<16xi32>
        %ne3A_335 = arith.cmpi ne, %shift_right_logical3A_289, %shift_right_logical3A_124 : vector<16xi32>
        %and3A_336 = arith.andi %lt3A_334, %ne3A_335 : vector<16xi1>
        %jit3A_337 = arith.constant 0.000000e+00 : f32
        %broadcast_in_dim3A_338 = vector.broadcast %jit3A_337 : f32 to vector<16xf32>
        %select_n3A_339 = arith.select %and3A_336, %mul3A_333, %broadcast_in_dim3A_338 : vector<16xi1>, vector<16xf32>
        %add3A_340 = arith.addf %while3A_254, %select_n3A_339 : vector<16xf32>
        %sub3A_341 = arith.subf %gather3A_139, %get3A_265 : vector<16xf32>
        %sub3A_342 = arith.subf %gather3A_143, %get3A_269 : vector<16xf32>
        %sub3A_343 = arith.subf %gather3A_147, %get3A_273 : vector<16xf32>
        %mul3A_344 = arith.mulf %sub3A_341, %sub3A_341 : vector<16xf32>
        %mul3A_345 = arith.mulf %sub3A_342, %sub3A_342 : vector<16xf32>
        %add3A_346 = arith.addf %mul3A_344, %mul3A_345 : vector<16xf32>
        %mul3A_347 = arith.mulf %sub3A_343, %sub3A_343 : vector<16xf32>
        %add3A_348 = arith.addf %add3A_346, %mul3A_347 : vector<16xf32>
        %max3A_349 = arith.constant 0.00999999977 : f32
        %max3A_350 = vector.broadcast %max3A_349 : f32 to vector<16xf32>
        %max3A_351 = arith.maximumf %add3A_348, %max3A_350 : vector<16xf32>
        %add3A_352 = arith.addf %gather3A_151, %get3A_277 : vector<16xf32>
        %mul3A_353 = arith.mulf %add3A_352, %add3A_352 : vector<16xf32>
        %div3A_354 = arith.divf %mul3A_353, %max3A_351 : vector<16xf32>
        %mul3A_355 = arith.mulf %div3A_354, %div3A_354 : vector<16xf32>
        %mul3A_356 = arith.mulf %mul3A_355, %div3A_354 : vector<16xf32>
        %sub3A_357 = arith.constant 2.000000e+00 : f32
        %sub3A_358 = vector.broadcast %sub3A_357 : f32 to vector<16xf32>
        %sub3A_359 = arith.subf %mul3A_356, %sub3A_358 : vector<16xf32>
        %mul3A_360 = arith.mulf %mul3A_356, %sub3A_359 : vector<16xf32>
        %mul3A_361 = arith.mulf %get3A_281, %mul3A_360 : vector<16xf32>
        %lt3A_362 = arith.cmpi slt, %add3A_261, %and3A_161 : vector<16xi32>
        %ne3A_363 = arith.cmpi ne, %shift_right_logical3A_289, %shift_right_logical3A_158 : vector<16xi32>
        %and3A_364 = arith.andi %lt3A_362, %ne3A_363 : vector<16xi1>
        %jit3A_365 = arith.constant 0.000000e+00 : f32
        %broadcast_in_dim3A_366 = vector.broadcast %jit3A_365 : f32 to vector<16xf32>
        %select_n3A_367 = arith.select %and3A_364, %mul3A_361, %broadcast_in_dim3A_366 : vector<16xi1>, vector<16xf32>
        %add3A_368 = arith.addf %while3A_255, %select_n3A_367 : vector<16xf32>
        %sub3A_369 = arith.subf %gather3A_173, %get3A_265 : vector<16xf32>
        %sub3A_370 = arith.subf %gather3A_177, %get3A_269 : vector<16xf32>
        %sub3A_371 = arith.subf %gather3A_181, %get3A_273 : vector<16xf32>
        %mul3A_372 = arith.mulf %sub3A_369, %sub3A_369 : vector<16xf32>
        %mul3A_373 = arith.mulf %sub3A_370, %sub3A_370 : vector<16xf32>
        %add3A_374 = arith.addf %mul3A_372, %mul3A_373 : vector<16xf32>
        %mul3A_375 = arith.mulf %sub3A_371, %sub3A_371 : vector<16xf32>
        %add3A_376 = arith.addf %add3A_374, %mul3A_375 : vector<16xf32>
        %max3A_377 = arith.constant 0.00999999977 : f32
        %max3A_378 = vector.broadcast %max3A_377 : f32 to vector<16xf32>
        %max3A_379 = arith.maximumf %add3A_376, %max3A_378 : vector<16xf32>
        %add3A_380 = arith.addf %gather3A_185, %get3A_277 : vector<16xf32>
        %mul3A_381 = arith.mulf %add3A_380, %add3A_380 : vector<16xf32>
        %div3A_382 = arith.divf %mul3A_381, %max3A_379 : vector<16xf32>
        %mul3A_383 = arith.mulf %div3A_382, %div3A_382 : vector<16xf32>
        %mul3A_384 = arith.mulf %mul3A_383, %div3A_382 : vector<16xf32>
        %sub3A_385 = arith.constant 2.000000e+00 : f32
        %sub3A_386 = vector.broadcast %sub3A_385 : f32 to vector<16xf32>
        %sub3A_387 = arith.subf %mul3A_384, %sub3A_386 : vector<16xf32>
        %mul3A_388 = arith.mulf %mul3A_384, %sub3A_387 : vector<16xf32>
        %mul3A_389 = arith.mulf %get3A_281, %mul3A_388 : vector<16xf32>
        %lt3A_390 = arith.cmpi slt, %add3A_261, %and3A_195 : vector<16xi32>
        %ne3A_391 = arith.cmpi ne, %shift_right_logical3A_289, %shift_right_logical3A_192 : vector<16xi32>
        %and3A_392 = arith.andi %lt3A_390, %ne3A_391 : vector<16xi1>
        %jit3A_393 = arith.constant 0.000000e+00 : f32
        %broadcast_in_dim3A_394 = vector.broadcast %jit3A_393 : f32 to vector<16xf32>
        %select_n3A_395 = arith.select %and3A_392, %mul3A_389, %broadcast_in_dim3A_394 : vector<16xi1>, vector<16xf32>
        %add3A_396 = arith.addf %while3A_256, %select_n3A_395 : vector<16xf32>
        scf.yield %add3A_312, %add3A_340, %add3A_368, %add3A_396 : vector<16xf32>, vector<16xf32>, vector<16xf32>, vector<16xf32>
      }
      %while3A_230 = arith.constant 1 : i32
      %while3A_231:4 = scf.for %while3A_252 = %while3A_227 to %while3A_223 step %while3A_230 iter_args(%while3A_253 = %while3A_229#0, %while3A_254 = %while3A_229#1, %while3A_255 = %while3A_229#2, %while3A_256 = %while3A_229#3) -> (vector<16xf32>, vector<16xf32>, vector<16xf32>, vector<16xf32>)  : i32 {
        %mul3A_257 = arith.constant 16 : i32
        %mul3A_258 = arith.muli %while3A_252, %mul3A_257 : i32
        %add3A_259 = arith.addi %and3A_202, %mul3A_258 : i32
        %add3A_260 = vector.broadcast %add3A_259 : i32 to vector<16xi32>
        %add3A_261 = arith.addi %add3A_260, %iota3A : vector<16xi32>
        %get3A_262 = arith.constant 0 : i32
        %get3A_263 = arith.index_cast %get3A_262 : i32 to index
        %get3A_264 = arith.index_cast %add3A_259 : i32 to index
        %get3A_265 = tpu.vector_load %arg4[%get3A_263, %get3A_264] {strides = array<i32>} : memref<6x4096xf32, #tpu.memory_space<vmem>>, vector<16xf32>,
        %get3A_266 = arith.constant 1 : i32
        %get3A_267 = arith.index_cast %get3A_266 : i32 to index
        %get3A_268 = arith.index_cast %add3A_259 : i32 to index
        %get3A_269 = tpu.vector_load %arg4[%get3A_267, %get3A_268] {strides = array<i32>} : memref<6x4096xf32, #tpu.memory_space<vmem>>, vector<16xf32>,
        %get3A_270 = arith.constant 2 : i32
        %get3A_271 = arith.index_cast %get3A_270 : i32 to index
        %get3A_272 = arith.index_cast %add3A_259 : i32 to index
        %get3A_273 = tpu.vector_load %arg4[%get3A_271, %get3A_272] {strides = array<i32>} : memref<6x4096xf32, #tpu.memory_space<vmem>>, vector<16xf32>,
        %get3A_274 = arith.constant 3 : i32
        %get3A_275 = arith.index_cast %get3A_274 : i32 to index
        %get3A_276 = arith.index_cast %add3A_259 : i32 to index
        %get3A_277 = tpu.vector_load %arg4[%get3A_275, %get3A_276] {strides = array<i32>} : memref<6x4096xf32, #tpu.memory_space<vmem>>, vector<16xf32>,
        %get3A_278 = arith.constant 4 : i32
        %get3A_279 = arith.index_cast %get3A_278 : i32 to index
        %get3A_280 = arith.index_cast %add3A_259 : i32 to index
        %get3A_281 = tpu.vector_load %arg4[%get3A_279, %get3A_280] {strides = array<i32>} : memref<6x4096xf32, #tpu.memory_space<vmem>>, vector<16xf32>,
        %get3A_282 = arith.constant 5 : i32
        %get3A_283 = arith.index_cast %get3A_282 : i32 to index
        %get3A_284 = arith.index_cast %add3A_259 : i32 to index
        %get3A_285 = tpu.vector_load %arg4[%get3A_283, %get3A_284] {strides = array<i32>} : memref<6x4096xf32, #tpu.memory_space<vmem>>, vector<16xf32>,
        %bitcast3A_286 = vector.bitcast %get3A_285 : vector<16xf32> to vector<16xi32>
        %shift_right_logical3A_287 = arith.constant 13 : i32
        %shift_right_logical3A_288 = vector.broadcast %shift_right_logical3A_287 : i32 to vector<16xi32>
        %shift_right_logical3A_289 = arith.shrui %bitcast3A_286, %shift_right_logical3A_288 : vector<16xi32>
        %sub3A_290 = arith.subf %gather3A_72, %get3A_265 : vector<16xf32>
        %sub3A_291 = arith.subf %gather3A_76, %get3A_269 : vector<16xf32>
        %sub3A_292 = arith.subf %gather3A_80, %get3A_273 : vector<16xf32>
        %mul3A_293 = arith.mulf %sub3A_290, %sub3A_290 : vector<16xf32>
        %mul3A_294 = arith.mulf %sub3A_291, %sub3A_291 : vector<16xf32>
        %add3A_295 = arith.addf %mul3A_293, %mul3A_294 : vector<16xf32>
        %mul3A_296 = arith.mulf %sub3A_292, %sub3A_292 : vector<16xf32>
        %add3A_297 = arith.addf %add3A_295, %mul3A_296 : vector<16xf32>
        %max3A = arith.constant 0.00999999977 : f32
        %max3A_298 = vector.broadcast %max3A : f32 to vector<16xf32>
        %max3A_299 = arith.maximumf %add3A_297, %max3A_298 : vector<16xf32>
        %add3A_300 = arith.addf %gather3A_84, %get3A_277 : vector<16xf32>
        %mul3A_301 = arith.mulf %add3A_300, %add3A_300 : vector<16xf32>
        %div3A = arith.divf %mul3A_301, %max3A_299 : vector<16xf32>
        %mul3A_302 = arith.mulf %div3A, %div3A : vector<16xf32>
        %mul3A_303 = arith.mulf %mul3A_302, %div3A : vector<16xf32>
        %sub3A_304 = arith.constant 2.000000e+00 : f32
        %sub3A_305 = vector.broadcast %sub3A_304 : f32 to vector<16xf32>
        %sub3A_306 = arith.subf %mul3A_303, %sub3A_305 : vector<16xf32>
        %mul3A_307 = arith.mulf %mul3A_303, %sub3A_306 : vector<16xf32>
        %mul3A_308 = arith.mulf %get3A_281, %mul3A_307 : vector<16xf32>
        %lt3A = arith.cmpi slt, %add3A_261, %and3A_93 : vector<16xi32>
        %ne3A = arith.cmpi ne, %shift_right_logical3A_289, %shift_right_logical3A_90 : vector<16xi32>
        %and3A_309 = arith.andi %lt3A, %ne3A : vector<16xi1>
        %jit3A = arith.constant 0.000000e+00 : f32
        %broadcast_in_dim3A_310 = vector.broadcast %jit3A : f32 to vector<16xf32>
        %select_n3A_311 = arith.select %and3A_309, %mul3A_308, %broadcast_in_dim3A_310 : vector<16xi1>, vector<16xf32>
        %add3A_312 = arith.addf %while3A_253, %select_n3A_311 : vector<16xf32>
        %sub3A_313 = arith.subf %gather3A_105, %get3A_265 : vector<16xf32>
        %sub3A_314 = arith.subf %gather3A_109, %get3A_269 : vector<16xf32>
        %sub3A_315 = arith.subf %gather3A_113, %get3A_273 : vector<16xf32>
        %mul3A_316 = arith.mulf %sub3A_313, %sub3A_313 : vector<16xf32>
        %mul3A_317 = arith.mulf %sub3A_314, %sub3A_314 : vector<16xf32>
        %add3A_318 = arith.addf %mul3A_316, %mul3A_317 : vector<16xf32>
        %mul3A_319 = arith.mulf %sub3A_315, %sub3A_315 : vector<16xf32>
        %add3A_320 = arith.addf %add3A_318, %mul3A_319 : vector<16xf32>
        %max3A_321 = arith.constant 0.00999999977 : f32
        %max3A_322 = vector.broadcast %max3A_321 : f32 to vector<16xf32>
        %max3A_323 = arith.maximumf %add3A_320, %max3A_322 : vector<16xf32>
        %add3A_324 = arith.addf %gather3A_117, %get3A_277 : vector<16xf32>
        %mul3A_325 = arith.mulf %add3A_324, %add3A_324 : vector<16xf32>
        %div3A_326 = arith.divf %mul3A_325, %max3A_323 : vector<16xf32>
        %mul3A_327 = arith.mulf %div3A_326, %div3A_326 : vector<16xf32>
        %mul3A_328 = arith.mulf %mul3A_327, %div3A_326 : vector<16xf32>
        %sub3A_329 = arith.constant 2.000000e+00 : f32
        %sub3A_330 = vector.broadcast %sub3A_329 : f32 to vector<16xf32>
        %sub3A_331 = arith.subf %mul3A_328, %sub3A_330 : vector<16xf32>
        %mul3A_332 = arith.mulf %mul3A_328, %sub3A_331 : vector<16xf32>
        %mul3A_333 = arith.mulf %get3A_281, %mul3A_332 : vector<16xf32>
        %lt3A_334 = arith.cmpi slt, %add3A_261, %and3A_127 : vector<16xi32>
        %ne3A_335 = arith.cmpi ne, %shift_right_logical3A_289, %shift_right_logical3A_124 : vector<16xi32>
        %and3A_336 = arith.andi %lt3A_334, %ne3A_335 : vector<16xi1>
        %jit3A_337 = arith.constant 0.000000e+00 : f32
        %broadcast_in_dim3A_338 = vector.broadcast %jit3A_337 : f32 to vector<16xf32>
        %select_n3A_339 = arith.select %and3A_336, %mul3A_333, %broadcast_in_dim3A_338 : vector<16xi1>, vector<16xf32>
        %add3A_340 = arith.addf %while3A_254, %select_n3A_339 : vector<16xf32>
        %sub3A_341 = arith.subf %gather3A_139, %get3A_265 : vector<16xf32>
        %sub3A_342 = arith.subf %gather3A_143, %get3A_269 : vector<16xf32>
        %sub3A_343 = arith.subf %gather3A_147, %get3A_273 : vector<16xf32>
        %mul3A_344 = arith.mulf %sub3A_341, %sub3A_341 : vector<16xf32>
        %mul3A_345 = arith.mulf %sub3A_342, %sub3A_342 : vector<16xf32>
        %add3A_346 = arith.addf %mul3A_344, %mul3A_345 : vector<16xf32>
        %mul3A_347 = arith.mulf %sub3A_343, %sub3A_343 : vector<16xf32>
        %add3A_348 = arith.addf %add3A_346, %mul3A_347 : vector<16xf32>
        %max3A_349 = arith.constant 0.00999999977 : f32
        %max3A_350 = vector.broadcast %max3A_349 : f32 to vector<16xf32>
        %max3A_351 = arith.maximumf %add3A_348, %max3A_350 : vector<16xf32>
        %add3A_352 = arith.addf %gather3A_151, %get3A_277 : vector<16xf32>
        %mul3A_353 = arith.mulf %add3A_352, %add3A_352 : vector<16xf32>
        %div3A_354 = arith.divf %mul3A_353, %max3A_351 : vector<16xf32>
        %mul3A_355 = arith.mulf %div3A_354, %div3A_354 : vector<16xf32>
        %mul3A_356 = arith.mulf %mul3A_355, %div3A_354 : vector<16xf32>
        %sub3A_357 = arith.constant 2.000000e+00 : f32
        %sub3A_358 = vector.broadcast %sub3A_357 : f32 to vector<16xf32>
        %sub3A_359 = arith.subf %mul3A_356, %sub3A_358 : vector<16xf32>
        %mul3A_360 = arith.mulf %mul3A_356, %sub3A_359 : vector<16xf32>
        %mul3A_361 = arith.mulf %get3A_281, %mul3A_360 : vector<16xf32>
        %lt3A_362 = arith.cmpi slt, %add3A_261, %and3A_161 : vector<16xi32>
        %ne3A_363 = arith.cmpi ne, %shift_right_logical3A_289, %shift_right_logical3A_158 : vector<16xi32>
        %and3A_364 = arith.andi %lt3A_362, %ne3A_363 : vector<16xi1>
        %jit3A_365 = arith.constant 0.000000e+00 : f32
        %broadcast_in_dim3A_366 = vector.broadcast %jit3A_365 : f32 to vector<16xf32>
        %select_n3A_367 = arith.select %and3A_364, %mul3A_361, %broadcast_in_dim3A_366 : vector<16xi1>, vector<16xf32>
        %add3A_368 = arith.addf %while3A_255, %select_n3A_367 : vector<16xf32>
        %sub3A_369 = arith.subf %gather3A_173, %get3A_265 : vector<16xf32>
        %sub3A_370 = arith.subf %gather3A_177, %get3A_269 : vector<16xf32>
        %sub3A_371 = arith.subf %gather3A_181, %get3A_273 : vector<16xf32>
        %mul3A_372 = arith.mulf %sub3A_369, %sub3A_369 : vector<16xf32>
        %mul3A_373 = arith.mulf %sub3A_370, %sub3A_370 : vector<16xf32>
        %add3A_374 = arith.addf %mul3A_372, %mul3A_373 : vector<16xf32>
        %mul3A_375 = arith.mulf %sub3A_371, %sub3A_371 : vector<16xf32>
        %add3A_376 = arith.addf %add3A_374, %mul3A_375 : vector<16xf32>
        %max3A_377 = arith.constant 0.00999999977 : f32
        %max3A_378 = vector.broadcast %max3A_377 : f32 to vector<16xf32>
        %max3A_379 = arith.maximumf %add3A_376, %max3A_378 : vector<16xf32>
        %add3A_380 = arith.addf %gather3A_185, %get3A_277 : vector<16xf32>
        %mul3A_381 = arith.mulf %add3A_380, %add3A_380 : vector<16xf32>
        %div3A_382 = arith.divf %mul3A_381, %max3A_379 : vector<16xf32>
        %mul3A_383 = arith.mulf %div3A_382, %div3A_382 : vector<16xf32>
        %mul3A_384 = arith.mulf %mul3A_383, %div3A_382 : vector<16xf32>
        %sub3A_385 = arith.constant 2.000000e+00 : f32
        %sub3A_386 = vector.broadcast %sub3A_385 : f32 to vector<16xf32>
        %sub3A_387 = arith.subf %mul3A_384, %sub3A_386 : vector<16xf32>
        %mul3A_388 = arith.mulf %mul3A_384, %sub3A_387 : vector<16xf32>
        %mul3A_389 = arith.mulf %get3A_281, %mul3A_388 : vector<16xf32>
        %lt3A_390 = arith.cmpi slt, %add3A_261, %and3A_195 : vector<16xi32>
        %ne3A_391 = arith.cmpi ne, %shift_right_logical3A_289, %shift_right_logical3A_192 : vector<16xi32>
        %and3A_392 = arith.andi %lt3A_390, %ne3A_391 : vector<16xi1>
        %jit3A_393 = arith.constant 0.000000e+00 : f32
        %broadcast_in_dim3A_394 = vector.broadcast %jit3A_393 : f32 to vector<16xf32>
        %select_n3A_395 = arith.select %and3A_392, %mul3A_389, %broadcast_in_dim3A_394 : vector<16xi1>, vector<16xf32>
        %add3A_396 = arith.addf %while3A_256, %select_n3A_395 : vector<16xf32>
        scf.yield %add3A_312, %add3A_340, %add3A_368, %add3A_396 : vector<16xf32>, vector<16xf32>, vector<16xf32>, vector<16xf32>
      }
      %mul3A_232 = arith.constant 16 : i32
      %mul3A_233 = vector.broadcast %mul3A_232 : i32 to vector<16xi32>
      %mul3A_234 = arith.muli %shift_right_logical3A_96, %mul3A_233 : vector<16xi32>
      %add3A_235 = arith.addi %mul3A_234, %iota3A : vector<16xi32>
      %mul3A_236 = arith.mulf %gather3A_88, %while3A_231#0 : vector<16xf32>
      tpu.vector_store_idx %arg7[%add3A_235], %mul3A_236 {add = true} : memref<256xf32, #tpu.memory_space<vmem>>[vector<16xi32>], vector<16xf32>,
      %mul3A_237 = arith.constant 16 : i32
      %mul3A_238 = vector.broadcast %mul3A_237 : i32 to vector<16xi32>
      %mul3A_239 = arith.muli %shift_right_logical3A_130, %mul3A_238 : vector<16xi32>
      %add3A_240 = arith.addi %mul3A_239, %iota3A : vector<16xi32>
      %mul3A_241 = arith.mulf %gather3A_121, %while3A_231#1 : vector<16xf32>
      tpu.vector_store_idx %arg7[%add3A_240], %mul3A_241 {add = true} : memref<256xf32, #tpu.memory_space<vmem>>[vector<16xi32>], vector<16xf32>,
      %mul3A_242 = arith.constant 16 : i32
      %mul3A_243 = vector.broadcast %mul3A_242 : i32 to vector<16xi32>
      %mul3A_244 = arith.muli %shift_right_logical3A_164, %mul3A_243 : vector<16xi32>
      %add3A_245 = arith.addi %mul3A_244, %iota3A : vector<16xi32>
      %mul3A_246 = arith.mulf %gather3A_155, %while3A_231#2 : vector<16xf32>
      tpu.vector_store_idx %arg7[%add3A_245], %mul3A_246 {add = true} : memref<256xf32, #tpu.memory_space<vmem>>[vector<16xi32>], vector<16xf32>,
      %mul3A_247 = arith.constant 16 : i32
      %mul3A_248 = vector.broadcast %mul3A_247 : i32 to vector<16xi32>
      %mul3A_249 = arith.muli %shift_right_logical3A_198, %mul3A_248 : vector<16xi32>
      %add3A_250 = arith.addi %mul3A_249, %iota3A : vector<16xi32>
      %mul3A_251 = arith.mulf %gather3A_189, %while3A_231#3 : vector<16xf32>
      tpu.vector_store_idx %arg7[%add3A_250], %mul3A_251 {add = true} : memref<256xf32, #tpu.memory_space<vmem>>[vector<16xi32>], vector<16xf32>,
    }
    %scan3A_41 = arith.constant 32 : i32
    %mul3A_42 = arith.constant 256 : i32
    %mul3A_43 = arith.muli %add3A, %mul3A_42 : i32
    "tpu.region"() ({
      %run_scoped3A = tpu.sem_alloc : memref<!tpu.dma_semaphore, #tpu.memory_space<semaphore_mem>>
      %dma_start3A = tpu.memref_slice %arg3[%mul3A_43] : memref<8192xf32, #tpu.memory_space<hbm>> -> memref<256xf32, #tpu.memory_space<hbm>>
      %dma_start3A_44 = tpu.memref_slice %arg3[%mul3A_43] : memref<8192xf32, #tpu.memory_space<hbm>> -> memref<256xf32, #tpu.memory_space<hbm>>
      tpu.enqueue_dma source(%arg7 : memref<256xf32, #tpu.memory_space<vmem>>) target(%dma_start3A_44 : memref<256xf32, #tpu.memory_space<hbm>>) target_semaphore(%run_scoped3A : memref<!tpu.dma_semaphore, #tpu.memory_space<semaphore_mem>>)
      %dma_wait3A = tpu.memref_slice %arg3[%mul3A_43] : memref<8192xf32, #tpu.memory_space<hbm>> -> memref<256xf32, #tpu.memory_space<hbm>>
      %dma_wait3A_45 = tpu.memref_slice %arg3[%mul3A_43] : memref<8192xf32, #tpu.memory_space<hbm>> -> memref<256xf32, #tpu.memory_space<hbm>>
      tpu.wait_dma2 semaphore(%run_scoped3A : memref<!tpu.dma_semaphore, #tpu.memory_space<semaphore_mem>>) src(%arg7 : memref<256xf32, #tpu.memory_space<vmem>>) dst(%dma_wait3A_45 : memref<256xf32, #tpu.memory_space<hbm>>)
      tpu.yield
    }) : () -> ()
    return
  }
}

module attributes {stable_mosaic.version = 14 : i64} {
  func.func @_prep_body(%arg0: memref<3x24x4096xf32, #tpu.memory_space<vmem>>, %arg1: memref<20xf32, #tpu.memory_space<smem>>, %arg2: memref<20xf32, #tpu.memory_space<smem>>, %arg3: memref<1x4096xi32, #tpu.memory_space<vmem>>, %arg4: memref<1x4096xi32, #tpu.memory_space<vmem>>, %arg5: memref<1x4096xi32, #tpu.memory_space<vmem>>, %arg6: memref<6x4096xf32, #tpu.memory_space<vmem>>) attributes {dimension_semantics = [], scalar_prefetch = 0 : i64, scratch_operands = 0 : i64, tpu.core_type = #tpu.core_type<tc>} {
    %get3A = arith.constant 0 : index
    %get3A_0 = arith.constant 0 : index
    %get3A_1 = arith.constant 0 : index
    %get3A_2 = vector.load %arg0[%get3A, %get3A_0, %get3A_1] : memref<3x24x4096xf32, #tpu.memory_space<vmem>>, vector<3x24x4096xf32>
    %reduce_sum3A = arith.constant dense<0.000000e+00> : vector<3x4096xf32>
    %reduce_sum3A_3 = vector.multi_reduction <add>, %get3A_2, %reduce_sum3A [1] : vector<3x24x4096xf32> to vector<3x4096xf32>
    %div3A = arith.constant 2.400000e+01 : f32
    %div3A_4 = vector.broadcast %div3A : f32 to vector<3x4096xf32>
    %div3A_5 = arith.divf %reduce_sum3A_3, %div3A_4 : vector<3x4096xf32>
    %swap3A = arith.constant 0 : index
    %swap3A_6 = arith.constant 0 : index
    %swap3A_7 = vector.load %arg6[%swap3A, %swap3A_6] : memref<6x4096xf32, #tpu.memory_space<vmem>>, vector<3x4096xf32>
    tpu.vector_store %arg6[%swap3A, %swap3A_6], %div3A_5 {strides = array<i32>} : memref<6x4096xf32, #tpu.memory_space<vmem>>, vector<3x4096xf32>,
    %get3A_8 = arith.constant 0 : index
    %get3A_9 = arith.constant 0 : index
    %get3A_10 = vector.load %arg3[%get3A_8, %get3A_9] : memref<1x4096xi32, #tpu.memory_space<vmem>>, vector<1x4096xi32>
    %broadcast_in_dim3A = arith.constant 0.000000e+00 : f32
    %broadcast_in_dim3A_11 = vector.broadcast %broadcast_in_dim3A : f32 to vector<1x4096xf32>
    %broadcast_in_dim3A_12 = arith.constant 0.000000e+00 : f32
    %broadcast_in_dim3A_13 = vector.broadcast %broadcast_in_dim3A_12 : f32 to vector<1x4096xf32>
    %eq3A = arith.constant 0 : i32
    %eq3A_14 = vector.broadcast %eq3A : i32 to vector<1x4096xi32>
    %eq3A_15 = arith.cmpi eq, %get3A_10, %eq3A_14 : vector<1x4096xi32>
    %get3A_16 = arith.constant 0 : index
    %get3A_17 = memref.load %arg1[%get3A_16] : memref<20xf32, #tpu.memory_space<smem>>
    %broadcast_in_dim3A_18 = vector.broadcast %get3A_17 : f32 to vector<1x4096xf32>
    %select_n3A = arith.select %eq3A_15, %broadcast_in_dim3A_18, %broadcast_in_dim3A_11 : vector<1x4096xi1>, vector<1x4096xf32>
    %eq3A_19 = arith.constant 0 : i32
    %eq3A_20 = vector.broadcast %eq3A_19 : i32 to vector<1x4096xi32>
    %eq3A_21 = arith.cmpi eq, %get3A_10, %eq3A_20 : vector<1x4096xi32>
    %get3A_22 = arith.constant 0 : index
    %get3A_23 = memref.load %arg2[%get3A_22] : memref<20xf32, #tpu.memory_space<smem>>
    %sqrt3A = math.sqrt %get3A_23 : f32
    %broadcast_in_dim3A_24 = vector.broadcast %sqrt3A : f32 to vector<1x4096xf32>
    %select_n3A_25 = arith.select %eq3A_21, %broadcast_in_dim3A_24, %broadcast_in_dim3A_13 : vector<1x4096xi1>, vector<1x4096xf32>
    %eq3A_26 = arith.constant 1 : i32
    %eq3A_27 = vector.broadcast %eq3A_26 : i32 to vector<1x4096xi32>
    %eq3A_28 = arith.cmpi eq, %get3A_10, %eq3A_27 : vector<1x4096xi32>
    %get3A_29 = arith.constant 1 : index
    %get3A_30 = memref.load %arg1[%get3A_29] : memref<20xf32, #tpu.memory_space<smem>>
    %broadcast_in_dim3A_31 = vector.broadcast %get3A_30 : f32 to vector<1x4096xf32>
    %select_n3A_32 = arith.select %eq3A_28, %broadcast_in_dim3A_31, %select_n3A : vector<1x4096xi1>, vector<1x4096xf32>
    %eq3A_33 = arith.constant 1 : i32
    %eq3A_34 = vector.broadcast %eq3A_33 : i32 to vector<1x4096xi32>
    %eq3A_35 = arith.cmpi eq, %get3A_10, %eq3A_34 : vector<1x4096xi32>
    %get3A_36 = arith.constant 1 : index
    %get3A_37 = memref.load %arg2[%get3A_36] : memref<20xf32, #tpu.memory_space<smem>>
    %sqrt3A_38 = math.sqrt %get3A_37 : f32
    %broadcast_in_dim3A_39 = vector.broadcast %sqrt3A_38 : f32 to vector<1x4096xf32>
    %select_n3A_40 = arith.select %eq3A_35, %broadcast_in_dim3A_39, %select_n3A_25 : vector<1x4096xi1>, vector<1x4096xf32>
    %eq3A_41 = arith.constant 2 : i32
    %eq3A_42 = vector.broadcast %eq3A_41 : i32 to vector<1x4096xi32>
    %eq3A_43 = arith.cmpi eq, %get3A_10, %eq3A_42 : vector<1x4096xi32>
    %get3A_44 = arith.constant 2 : index
    %get3A_45 = memref.load %arg1[%get3A_44] : memref<20xf32, #tpu.memory_space<smem>>
    %broadcast_in_dim3A_46 = vector.broadcast %get3A_45 : f32 to vector<1x4096xf32>
    %select_n3A_47 = arith.select %eq3A_43, %broadcast_in_dim3A_46, %select_n3A_32 : vector<1x4096xi1>, vector<1x4096xf32>
    %eq3A_48 = arith.constant 2 : i32
    %eq3A_49 = vector.broadcast %eq3A_48 : i32 to vector<1x4096xi32>
    %eq3A_50 = arith.cmpi eq, %get3A_10, %eq3A_49 : vector<1x4096xi32>
    %get3A_51 = arith.constant 2 : index
    %get3A_52 = memref.load %arg2[%get3A_51] : memref<20xf32, #tpu.memory_space<smem>>
    %sqrt3A_53 = math.sqrt %get3A_52 : f32
    %broadcast_in_dim3A_54 = vector.broadcast %sqrt3A_53 : f32 to vector<1x4096xf32>
    %select_n3A_55 = arith.select %eq3A_50, %broadcast_in_dim3A_54, %select_n3A_40 : vector<1x4096xi1>, vector<1x4096xf32>
    %eq3A_56 = arith.constant 3 : i32
    %eq3A_57 = vector.broadcast %eq3A_56 : i32 to vector<1x4096xi32>
    %eq3A_58 = arith.cmpi eq, %get3A_10, %eq3A_57 : vector<1x4096xi32>
    %get3A_59 = arith.constant 3 : index
    %get3A_60 = memref.load %arg1[%get3A_59] : memref<20xf32, #tpu.memory_space<smem>>
    %broadcast_in_dim3A_61 = vector.broadcast %get3A_60 : f32 to vector<1x4096xf32>
    %select_n3A_62 = arith.select %eq3A_58, %broadcast_in_dim3A_61, %select_n3A_47 : vector<1x4096xi1>, vector<1x4096xf32>
    %eq3A_63 = arith.constant 3 : i32
    %eq3A_64 = vector.broadcast %eq3A_63 : i32 to vector<1x4096xi32>
    %eq3A_65 = arith.cmpi eq, %get3A_10, %eq3A_64 : vector<1x4096xi32>
    %get3A_66 = arith.constant 3 : index
    %get3A_67 = memref.load %arg2[%get3A_66] : memref<20xf32, #tpu.memory_space<smem>>
    %sqrt3A_68 = math.sqrt %get3A_67 : f32
    %broadcast_in_dim3A_69 = vector.broadcast %sqrt3A_68 : f32 to vector<1x4096xf32>
    %select_n3A_70 = arith.select %eq3A_65, %broadcast_in_dim3A_69, %select_n3A_55 : vector<1x4096xi1>, vector<1x4096xf32>
    %eq3A_71 = arith.constant 4 : i32
    %eq3A_72 = vector.broadcast %eq3A_71 : i32 to vector<1x4096xi32>
    %eq3A_73 = arith.cmpi eq, %get3A_10, %eq3A_72 : vector<1x4096xi32>
    %get3A_74 = arith.constant 4 : index
    %get3A_75 = memref.load %arg1[%get3A_74] : memref<20xf32, #tpu.memory_space<smem>>
    %broadcast_in_dim3A_76 = vector.broadcast %get3A_75 : f32 to vector<1x4096xf32>
    %select_n3A_77 = arith.select %eq3A_73, %broadcast_in_dim3A_76, %select_n3A_62 : vector<1x4096xi1>, vector<1x4096xf32>
    %eq3A_78 = arith.constant 4 : i32
    %eq3A_79 = vector.broadcast %eq3A_78 : i32 to vector<1x4096xi32>
    %eq3A_80 = arith.cmpi eq, %get3A_10, %eq3A_79 : vector<1x4096xi32>
    %get3A_81 = arith.constant 4 : index
    %get3A_82 = memref.load %arg2[%get3A_81] : memref<20xf32, #tpu.memory_space<smem>>
    %sqrt3A_83 = math.sqrt %get3A_82 : f32
    %broadcast_in_dim3A_84 = vector.broadcast %sqrt3A_83 : f32 to vector<1x4096xf32>
    %select_n3A_85 = arith.select %eq3A_80, %broadcast_in_dim3A_84, %select_n3A_70 : vector<1x4096xi1>, vector<1x4096xf32>
    %eq3A_86 = arith.constant 5 : i32
    %eq3A_87 = vector.broadcast %eq3A_86 : i32 to vector<1x4096xi32>
    %eq3A_88 = arith.cmpi eq, %get3A_10, %eq3A_87 : vector<1x4096xi32>
    %get3A_89 = arith.constant 5 : index
    %get3A_90 = memref.load %arg1[%get3A_89] : memref<20xf32, #tpu.memory_space<smem>>
    %broadcast_in_dim3A_91 = vector.broadcast %get3A_90 : f32 to vector<1x4096xf32>
    %select_n3A_92 = arith.select %eq3A_88, %broadcast_in_dim3A_91, %select_n3A_77 : vector<1x4096xi1>, vector<1x4096xf32>
    %eq3A_93 = arith.constant 5 : i32
    %eq3A_94 = vector.broadcast %eq3A_93 : i32 to vector<1x4096xi32>
    %eq3A_95 = arith.cmpi eq, %get3A_10, %eq3A_94 : vector<1x4096xi32>
    %get3A_96 = arith.constant 5 : index
    %get3A_97 = memref.load %arg2[%get3A_96] : memref<20xf32, #tpu.memory_space<smem>>
    %sqrt3A_98 = math.sqrt %get3A_97 : f32
    %broadcast_in_dim3A_99 = vector.broadcast %sqrt3A_98 : f32 to vector<1x4096xf32>
    %select_n3A_100 = arith.select %eq3A_95, %broadcast_in_dim3A_99, %select_n3A_85 : vector<1x4096xi1>, vector<1x4096xf32>
    %eq3A_101 = arith.constant 6 : i32
    %eq3A_102 = vector.broadcast %eq3A_101 : i32 to vector<1x4096xi32>
    %eq3A_103 = arith.cmpi eq, %get3A_10, %eq3A_102 : vector<1x4096xi32>
    %get3A_104 = arith.constant 6 : index
    %get3A_105 = memref.load %arg1[%get3A_104] : memref<20xf32, #tpu.memory_space<smem>>
    %broadcast_in_dim3A_106 = vector.broadcast %get3A_105 : f32 to vector<1x4096xf32>
    %select_n3A_107 = arith.select %eq3A_103, %broadcast_in_dim3A_106, %select_n3A_92 : vector<1x4096xi1>, vector<1x4096xf32>
    %eq3A_108 = arith.constant 6 : i32
    %eq3A_109 = vector.broadcast %eq3A_108 : i32 to vector<1x4096xi32>
    %eq3A_110 = arith.cmpi eq, %get3A_10, %eq3A_109 : vector<1x4096xi32>
    %get3A_111 = arith.constant 6 : index
    %get3A_112 = memref.load %arg2[%get3A_111] : memref<20xf32, #tpu.memory_space<smem>>
    %sqrt3A_113 = math.sqrt %get3A_112 : f32
    %broadcast_in_dim3A_114 = vector.broadcast %sqrt3A_113 : f32 to vector<1x4096xf32>
    %select_n3A_115 = arith.select %eq3A_110, %broadcast_in_dim3A_114, %select_n3A_100 : vector<1x4096xi1>, vector<1x4096xf32>
    %eq3A_116 = arith.constant 7 : i32
    %eq3A_117 = vector.broadcast %eq3A_116 : i32 to vector<1x4096xi32>
    %eq3A_118 = arith.cmpi eq, %get3A_10, %eq3A_117 : vector<1x4096xi32>
    %get3A_119 = arith.constant 7 : index
    %get3A_120 = memref.load %arg1[%get3A_119] : memref<20xf32, #tpu.memory_space<smem>>
    %broadcast_in_dim3A_121 = vector.broadcast %get3A_120 : f32 to vector<1x4096xf32>
    %select_n3A_122 = arith.select %eq3A_118, %broadcast_in_dim3A_121, %select_n3A_107 : vector<1x4096xi1>, vector<1x4096xf32>
    %eq3A_123 = arith.constant 7 : i32
    %eq3A_124 = vector.broadcast %eq3A_123 : i32 to vector<1x4096xi32>
    %eq3A_125 = arith.cmpi eq, %get3A_10, %eq3A_124 : vector<1x4096xi32>
    %get3A_126 = arith.constant 7 : index
    %get3A_127 = memref.load %arg2[%get3A_126] : memref<20xf32, #tpu.memory_space<smem>>
    %sqrt3A_128 = math.sqrt %get3A_127 : f32
    %broadcast_in_dim3A_129 = vector.broadcast %sqrt3A_128 : f32 to vector<1x4096xf32>
    %select_n3A_130 = arith.select %eq3A_125, %broadcast_in_dim3A_129, %select_n3A_115 : vector<1x4096xi1>, vector<1x4096xf32>
    %eq3A_131 = arith.constant 8 : i32
    %eq3A_132 = vector.broadcast %eq3A_131 : i32 to vector<1x4096xi32>
    %eq3A_133 = arith.cmpi eq, %get3A_10, %eq3A_132 : vector<1x4096xi32>
    %get3A_134 = arith.constant 8 : index
    %get3A_135 = memref.load %arg1[%get3A_134] : memref<20xf32, #tpu.memory_space<smem>>
    %broadcast_in_dim3A_136 = vector.broadcast %get3A_135 : f32 to vector<1x4096xf32>
    %select_n3A_137 = arith.select %eq3A_133, %broadcast_in_dim3A_136, %select_n3A_122 : vector<1x4096xi1>, vector<1x4096xf32>
    %eq3A_138 = arith.constant 8 : i32
    %eq3A_139 = vector.broadcast %eq3A_138 : i32 to vector<1x4096xi32>
    %eq3A_140 = arith.cmpi eq, %get3A_10, %eq3A_139 : vector<1x4096xi32>
    %get3A_141 = arith.constant 8 : index
    %get3A_142 = memref.load %arg2[%get3A_141] : memref<20xf32, #tpu.memory_space<smem>>
    %sqrt3A_143 = math.sqrt %get3A_142 : f32
    %broadcast_in_dim3A_144 = vector.broadcast %sqrt3A_143 : f32 to vector<1x4096xf32>
    %select_n3A_145 = arith.select %eq3A_140, %broadcast_in_dim3A_144, %select_n3A_130 : vector<1x4096xi1>, vector<1x4096xf32>
    %eq3A_146 = arith.constant 9 : i32
    %eq3A_147 = vector.broadcast %eq3A_146 : i32 to vector<1x4096xi32>
    %eq3A_148 = arith.cmpi eq, %get3A_10, %eq3A_147 : vector<1x4096xi32>
    %get3A_149 = arith.constant 9 : index
    %get3A_150 = memref.load %arg1[%get3A_149] : memref<20xf32, #tpu.memory_space<smem>>
    %broadcast_in_dim3A_151 = vector.broadcast %get3A_150 : f32 to vector<1x4096xf32>
    %select_n3A_152 = arith.select %eq3A_148, %broadcast_in_dim3A_151, %select_n3A_137 : vector<1x4096xi1>, vector<1x4096xf32>
    %eq3A_153 = arith.constant 9 : i32
    %eq3A_154 = vector.broadcast %eq3A_153 : i32 to vector<1x4096xi32>
    %eq3A_155 = arith.cmpi eq, %get3A_10, %eq3A_154 : vector<1x4096xi32>
    %get3A_156 = arith.constant 9 : index
    %get3A_157 = memref.load %arg2[%get3A_156] : memref<20xf32, #tpu.memory_space<smem>>
    %sqrt3A_158 = math.sqrt %get3A_157 : f32
    %broadcast_in_dim3A_159 = vector.broadcast %sqrt3A_158 : f32 to vector<1x4096xf32>
    %select_n3A_160 = arith.select %eq3A_155, %broadcast_in_dim3A_159, %select_n3A_145 : vector<1x4096xi1>, vector<1x4096xf32>
    %eq3A_161 = arith.constant 10 : i32
    %eq3A_162 = vector.broadcast %eq3A_161 : i32 to vector<1x4096xi32>
    %eq3A_163 = arith.cmpi eq, %get3A_10, %eq3A_162 : vector<1x4096xi32>
    %get3A_164 = arith.constant 10 : index
    %get3A_165 = memref.load %arg1[%get3A_164] : memref<20xf32, #tpu.memory_space<smem>>
    %broadcast_in_dim3A_166 = vector.broadcast %get3A_165 : f32 to vector<1x4096xf32>
    %select_n3A_167 = arith.select %eq3A_163, %broadcast_in_dim3A_166, %select_n3A_152 : vector<1x4096xi1>, vector<1x4096xf32>
    %eq3A_168 = arith.constant 10 : i32
    %eq3A_169 = vector.broadcast %eq3A_168 : i32 to vector<1x4096xi32>
    %eq3A_170 = arith.cmpi eq, %get3A_10, %eq3A_169 : vector<1x4096xi32>
    %get3A_171 = arith.constant 10 : index
    %get3A_172 = memref.load %arg2[%get3A_171] : memref<20xf32, #tpu.memory_space<smem>>
    %sqrt3A_173 = math.sqrt %get3A_172 : f32
    %broadcast_in_dim3A_174 = vector.broadcast %sqrt3A_173 : f32 to vector<1x4096xf32>
    %select_n3A_175 = arith.select %eq3A_170, %broadcast_in_dim3A_174, %select_n3A_160 : vector<1x4096xi1>, vector<1x4096xf32>
    %eq3A_176 = arith.constant 11 : i32
    %eq3A_177 = vector.broadcast %eq3A_176 : i32 to vector<1x4096xi32>
    %eq3A_178 = arith.cmpi eq, %get3A_10, %eq3A_177 : vector<1x4096xi32>
    %get3A_179 = arith.constant 11 : index
    %get3A_180 = memref.load %arg1[%get3A_179] : memref<20xf32, #tpu.memory_space<smem>>
    %broadcast_in_dim3A_181 = vector.broadcast %get3A_180 : f32 to vector<1x4096xf32>
    %select_n3A_182 = arith.select %eq3A_178, %broadcast_in_dim3A_181, %select_n3A_167 : vector<1x4096xi1>, vector<1x4096xf32>
    %eq3A_183 = arith.constant 11 : i32
    %eq3A_184 = vector.broadcast %eq3A_183 : i32 to vector<1x4096xi32>
    %eq3A_185 = arith.cmpi eq, %get3A_10, %eq3A_184 : vector<1x4096xi32>
    %get3A_186 = arith.constant 11 : index
    %get3A_187 = memref.load %arg2[%get3A_186] : memref<20xf32, #tpu.memory_space<smem>>
    %sqrt3A_188 = math.sqrt %get3A_187 : f32
    %broadcast_in_dim3A_189 = vector.broadcast %sqrt3A_188 : f32 to vector<1x4096xf32>
    %select_n3A_190 = arith.select %eq3A_185, %broadcast_in_dim3A_189, %select_n3A_175 : vector<1x4096xi1>, vector<1x4096xf32>
    %eq3A_191 = arith.constant 12 : i32
    %eq3A_192 = vector.broadcast %eq3A_191 : i32 to vector<1x4096xi32>
    %eq3A_193 = arith.cmpi eq, %get3A_10, %eq3A_192 : vector<1x4096xi32>
    %get3A_194 = arith.constant 12 : index
    %get3A_195 = memref.load %arg1[%get3A_194] : memref<20xf32, #tpu.memory_space<smem>>
    %broadcast_in_dim3A_196 = vector.broadcast %get3A_195 : f32 to vector<1x4096xf32>
    %select_n3A_197 = arith.select %eq3A_193, %broadcast_in_dim3A_196, %select_n3A_182 : vector<1x4096xi1>, vector<1x4096xf32>
    %eq3A_198 = arith.constant 12 : i32
    %eq3A_199 = vector.broadcast %eq3A_198 : i32 to vector<1x4096xi32>
    %eq3A_200 = arith.cmpi eq, %get3A_10, %eq3A_199 : vector<1x4096xi32>
    %get3A_201 = arith.constant 12 : index
    %get3A_202 = memref.load %arg2[%get3A_201] : memref<20xf32, #tpu.memory_space<smem>>
    %sqrt3A_203 = math.sqrt %get3A_202 : f32
    %broadcast_in_dim3A_204 = vector.broadcast %sqrt3A_203 : f32 to vector<1x4096xf32>
    %select_n3A_205 = arith.select %eq3A_200, %broadcast_in_dim3A_204, %select_n3A_190 : vector<1x4096xi1>, vector<1x4096xf32>
    %eq3A_206 = arith.constant 13 : i32
    %eq3A_207 = vector.broadcast %eq3A_206 : i32 to vector<1x4096xi32>
    %eq3A_208 = arith.cmpi eq, %get3A_10, %eq3A_207 : vector<1x4096xi32>
    %get3A_209 = arith.constant 13 : index
    %get3A_210 = memref.load %arg1[%get3A_209] : memref<20xf32, #tpu.memory_space<smem>>
    %broadcast_in_dim3A_211 = vector.broadcast %get3A_210 : f32 to vector<1x4096xf32>
    %select_n3A_212 = arith.select %eq3A_208, %broadcast_in_dim3A_211, %select_n3A_197 : vector<1x4096xi1>, vector<1x4096xf32>
    %eq3A_213 = arith.constant 13 : i32
    %eq3A_214 = vector.broadcast %eq3A_213 : i32 to vector<1x4096xi32>
    %eq3A_215 = arith.cmpi eq, %get3A_10, %eq3A_214 : vector<1x4096xi32>
    %get3A_216 = arith.constant 13 : index
    %get3A_217 = memref.load %arg2[%get3A_216] : memref<20xf32, #tpu.memory_space<smem>>
    %sqrt3A_218 = math.sqrt %get3A_217 : f32
    %broadcast_in_dim3A_219 = vector.broadcast %sqrt3A_218 : f32 to vector<1x4096xf32>
    %select_n3A_220 = arith.select %eq3A_215, %broadcast_in_dim3A_219, %select_n3A_205 : vector<1x4096xi1>, vector<1x4096xf32>
    %eq3A_221 = arith.constant 14 : i32
    %eq3A_222 = vector.broadcast %eq3A_221 : i32 to vector<1x4096xi32>
    %eq3A_223 = arith.cmpi eq, %get3A_10, %eq3A_222 : vector<1x4096xi32>
    %get3A_224 = arith.constant 14 : index
    %get3A_225 = memref.load %arg1[%get3A_224] : memref<20xf32, #tpu.memory_space<smem>>
    %broadcast_in_dim3A_226 = vector.broadcast %get3A_225 : f32 to vector<1x4096xf32>
    %select_n3A_227 = arith.select %eq3A_223, %broadcast_in_dim3A_226, %select_n3A_212 : vector<1x4096xi1>, vector<1x4096xf32>
    %eq3A_228 = arith.constant 14 : i32
    %eq3A_229 = vector.broadcast %eq3A_228 : i32 to vector<1x4096xi32>
    %eq3A_230 = arith.cmpi eq, %get3A_10, %eq3A_229 : vector<1x4096xi32>
    %get3A_231 = arith.constant 14 : index
    %get3A_232 = memref.load %arg2[%get3A_231] : memref<20xf32, #tpu.memory_space<smem>>
    %sqrt3A_233 = math.sqrt %get3A_232 : f32
    %broadcast_in_dim3A_234 = vector.broadcast %sqrt3A_233 : f32 to vector<1x4096xf32>
    %select_n3A_235 = arith.select %eq3A_230, %broadcast_in_dim3A_234, %select_n3A_220 : vector<1x4096xi1>, vector<1x4096xf32>
    %eq3A_236 = arith.constant 15 : i32
    %eq3A_237 = vector.broadcast %eq3A_236 : i32 to vector<1x4096xi32>
    %eq3A_238 = arith.cmpi eq, %get3A_10, %eq3A_237 : vector<1x4096xi32>
    %get3A_239 = arith.constant 15 : index
    %get3A_240 = memref.load %arg1[%get3A_239] : memref<20xf32, #tpu.memory_space<smem>>
    %broadcast_in_dim3A_241 = vector.broadcast %get3A_240 : f32 to vector<1x4096xf32>
    %select_n3A_242 = arith.select %eq3A_238, %broadcast_in_dim3A_241, %select_n3A_227 : vector<1x4096xi1>, vector<1x4096xf32>
    %eq3A_243 = arith.constant 15 : i32
    %eq3A_244 = vector.broadcast %eq3A_243 : i32 to vector<1x4096xi32>
    %eq3A_245 = arith.cmpi eq, %get3A_10, %eq3A_244 : vector<1x4096xi32>
    %get3A_246 = arith.constant 15 : index
    %get3A_247 = memref.load %arg2[%get3A_246] : memref<20xf32, #tpu.memory_space<smem>>
    %sqrt3A_248 = math.sqrt %get3A_247 : f32
    %broadcast_in_dim3A_249 = vector.broadcast %sqrt3A_248 : f32 to vector<1x4096xf32>
    %select_n3A_250 = arith.select %eq3A_245, %broadcast_in_dim3A_249, %select_n3A_235 : vector<1x4096xi1>, vector<1x4096xf32>
    %eq3A_251 = arith.constant 16 : i32
    %eq3A_252 = vector.broadcast %eq3A_251 : i32 to vector<1x4096xi32>
    %eq3A_253 = arith.cmpi eq, %get3A_10, %eq3A_252 : vector<1x4096xi32>
    %get3A_254 = arith.constant 16 : index
    %get3A_255 = memref.load %arg1[%get3A_254] : memref<20xf32, #tpu.memory_space<smem>>
    %broadcast_in_dim3A_256 = vector.broadcast %get3A_255 : f32 to vector<1x4096xf32>
    %select_n3A_257 = arith.select %eq3A_253, %broadcast_in_dim3A_256, %select_n3A_242 : vector<1x4096xi1>, vector<1x4096xf32>
    %eq3A_258 = arith.constant 16 : i32
    %eq3A_259 = vector.broadcast %eq3A_258 : i32 to vector<1x4096xi32>
    %eq3A_260 = arith.cmpi eq, %get3A_10, %eq3A_259 : vector<1x4096xi32>
    %get3A_261 = arith.constant 16 : index
    %get3A_262 = memref.load %arg2[%get3A_261] : memref<20xf32, #tpu.memory_space<smem>>
    %sqrt3A_263 = math.sqrt %get3A_262 : f32
    %broadcast_in_dim3A_264 = vector.broadcast %sqrt3A_263 : f32 to vector<1x4096xf32>
    %select_n3A_265 = arith.select %eq3A_260, %broadcast_in_dim3A_264, %select_n3A_250 : vector<1x4096xi1>, vector<1x4096xf32>
    %eq3A_266 = arith.constant 17 : i32
    %eq3A_267 = vector.broadcast %eq3A_266 : i32 to vector<1x4096xi32>
    %eq3A_268 = arith.cmpi eq, %get3A_10, %eq3A_267 : vector<1x4096xi32>
    %get3A_269 = arith.constant 17 : index
    %get3A_270 = memref.load %arg1[%get3A_269] : memref<20xf32, #tpu.memory_space<smem>>
    %broadcast_in_dim3A_271 = vector.broadcast %get3A_270 : f32 to vector<1x4096xf32>
    %select_n3A_272 = arith.select %eq3A_268, %broadcast_in_dim3A_271, %select_n3A_257 : vector<1x4096xi1>, vector<1x4096xf32>
    %eq3A_273 = arith.constant 17 : i32
    %eq3A_274 = vector.broadcast %eq3A_273 : i32 to vector<1x4096xi32>
    %eq3A_275 = arith.cmpi eq, %get3A_10, %eq3A_274 : vector<1x4096xi32>
    %get3A_276 = arith.constant 17 : index
    %get3A_277 = memref.load %arg2[%get3A_276] : memref<20xf32, #tpu.memory_space<smem>>
    %sqrt3A_278 = math.sqrt %get3A_277 : f32
    %broadcast_in_dim3A_279 = vector.broadcast %sqrt3A_278 : f32 to vector<1x4096xf32>
    %select_n3A_280 = arith.select %eq3A_275, %broadcast_in_dim3A_279, %select_n3A_265 : vector<1x4096xi1>, vector<1x4096xf32>
    %eq3A_281 = arith.constant 18 : i32
    %eq3A_282 = vector.broadcast %eq3A_281 : i32 to vector<1x4096xi32>
    %eq3A_283 = arith.cmpi eq, %get3A_10, %eq3A_282 : vector<1x4096xi32>
    %get3A_284 = arith.constant 18 : index
    %get3A_285 = memref.load %arg1[%get3A_284] : memref<20xf32, #tpu.memory_space<smem>>
    %broadcast_in_dim3A_286 = vector.broadcast %get3A_285 : f32 to vector<1x4096xf32>
    %select_n3A_287 = arith.select %eq3A_283, %broadcast_in_dim3A_286, %select_n3A_272 : vector<1x4096xi1>, vector<1x4096xf32>
    %eq3A_288 = arith.constant 18 : i32
    %eq3A_289 = vector.broadcast %eq3A_288 : i32 to vector<1x4096xi32>
    %eq3A_290 = arith.cmpi eq, %get3A_10, %eq3A_289 : vector<1x4096xi32>
    %get3A_291 = arith.constant 18 : index
    %get3A_292 = memref.load %arg2[%get3A_291] : memref<20xf32, #tpu.memory_space<smem>>
    %sqrt3A_293 = math.sqrt %get3A_292 : f32
    %broadcast_in_dim3A_294 = vector.broadcast %sqrt3A_293 : f32 to vector<1x4096xf32>
    %select_n3A_295 = arith.select %eq3A_290, %broadcast_in_dim3A_294, %select_n3A_280 : vector<1x4096xi1>, vector<1x4096xf32>
    %eq3A_296 = arith.constant 19 : i32
    %eq3A_297 = vector.broadcast %eq3A_296 : i32 to vector<1x4096xi32>
    %eq3A_298 = arith.cmpi eq, %get3A_10, %eq3A_297 : vector<1x4096xi32>
    %get3A_299 = arith.constant 19 : index
    %get3A_300 = memref.load %arg1[%get3A_299] : memref<20xf32, #tpu.memory_space<smem>>
    %broadcast_in_dim3A_301 = vector.broadcast %get3A_300 : f32 to vector<1x4096xf32>
    %select_n3A_302 = arith.select %eq3A_298, %broadcast_in_dim3A_301, %select_n3A_287 : vector<1x4096xi1>, vector<1x4096xf32>
    %eq3A_303 = arith.constant 19 : i32
    %eq3A_304 = vector.broadcast %eq3A_303 : i32 to vector<1x4096xi32>
    %eq3A_305 = arith.cmpi eq, %get3A_10, %eq3A_304 : vector<1x4096xi32>
    %get3A_306 = arith.constant 19 : index
    %get3A_307 = memref.load %arg2[%get3A_306] : memref<20xf32, #tpu.memory_space<smem>>
    %sqrt3A_308 = math.sqrt %get3A_307 : f32
    %broadcast_in_dim3A_309 = vector.broadcast %sqrt3A_308 : f32 to vector<1x4096xf32>
    %select_n3A_310 = arith.select %eq3A_305, %broadcast_in_dim3A_309, %select_n3A_295 : vector<1x4096xi1>, vector<1x4096xf32>
    %swap3A_311 = arith.constant 3 : index
    %swap3A_312 = arith.constant 0 : index
    %swap3A_313 = vector.load %arg6[%swap3A_311, %swap3A_312] : memref<6x4096xf32, #tpu.memory_space<vmem>>, vector<1x4096xf32>
    tpu.vector_store %arg6[%swap3A_311, %swap3A_312], %select_n3A_302 {strides = array<i32>} : memref<6x4096xf32, #tpu.memory_space<vmem>>, vector<1x4096xf32>,
    %swap3A_314 = arith.constant 4 : index
    %swap3A_315 = arith.constant 0 : index
    %swap3A_316 = vector.load %arg6[%swap3A_314, %swap3A_315] : memref<6x4096xf32, #tpu.memory_space<vmem>>, vector<1x4096xf32>
    tpu.vector_store %arg6[%swap3A_314, %swap3A_315], %select_n3A_310 {strides = array<i32>} : memref<6x4096xf32, #tpu.memory_space<vmem>>, vector<1x4096xf32>,
    %get3A_317 = arith.constant 0 : index
    %get3A_318 = arith.constant 0 : index
    %get3A_319 = vector.load %arg4[%get3A_317, %get3A_318] : memref<1x4096xi32, #tpu.memory_space<vmem>>, vector<1x4096xi32>
    %broadcast_in_dim3A_320 = arith.constant 0 : i32
    %broadcast_in_dim3A_321 = vector.broadcast %broadcast_in_dim3A_320 : i32 to vector<1x4096xi32>
    %eq3A_322 = arith.constant 0 : i32
    %eq3A_323 = vector.broadcast %eq3A_322 : i32 to vector<1x4096xi32>
    %eq3A_324 = arith.cmpi eq, %get3A_319, %eq3A_323 : vector<1x4096xi32>
    %convert_element_type3A = arith.extui %eq3A_324 : vector<1x4096xi1> to vector<1x4096xi32>
    %reduce_sum3A_325 = vector.shape_cast %convert_element_type3A : vector<1x4096xi32> to vector<1x1x4096xi32>
    %reduce_sum3A_326 = arith.constant dense<0> : vector<1xi32>
    %reduce_sum3A_327 = vector.multi_reduction <add>, %reduce_sum3A_325, %reduce_sum3A_326 [1, 2] : vector<1x1x4096xi32> to vector<1xi32>
    %reduce_sum3A_328 = vector.shape_cast %reduce_sum3A_327 : vector<1xi32> to vector<1x1x1xi32>
    %reduce_sum3A_329 = vector.extract %reduce_sum3A_328[0, 0, 0] : i32 from vector<1x1x1xi32>
    %add3A = arith.constant 0 : i32
    %add3A_330 = arith.addi %add3A, %reduce_sum3A_329 : i32
    %eq3A_331 = arith.constant 0 : i32
    %eq3A_332 = vector.broadcast %eq3A_331 : i32 to vector<1x4096xi32>
    %eq3A_333 = arith.cmpi eq, %get3A_319, %eq3A_332 : vector<1x4096xi32>
    %broadcast_in_dim3A_334 = vector.broadcast %add3A_330 : i32 to vector<1x4096xi32>
    %select_n3A_335 = arith.select %eq3A_333, %broadcast_in_dim3A_334, %broadcast_in_dim3A_321 : vector<1x4096xi1>, vector<1x4096xi32>
    %eq3A_336 = arith.constant 1 : i32
    %eq3A_337 = vector.broadcast %eq3A_336 : i32 to vector<1x4096xi32>
    %eq3A_338 = arith.cmpi eq, %get3A_319, %eq3A_337 : vector<1x4096xi32>
    %convert_element_type3A_339 = arith.extui %eq3A_338 : vector<1x4096xi1> to vector<1x4096xi32>
    %reduce_sum3A_340 = vector.shape_cast %convert_element_type3A_339 : vector<1x4096xi32> to vector<1x1x4096xi32>
    %reduce_sum3A_341 = arith.constant dense<0> : vector<1xi32>
    %reduce_sum3A_342 = vector.multi_reduction <add>, %reduce_sum3A_340, %reduce_sum3A_341 [1, 2] : vector<1x1x4096xi32> to vector<1xi32>
    %reduce_sum3A_343 = vector.shape_cast %reduce_sum3A_342 : vector<1xi32> to vector<1x1x1xi32>
    %reduce_sum3A_344 = vector.extract %reduce_sum3A_343[0, 0, 0] : i32 from vector<1x1x1xi32>
    %add3A_345 = arith.addi %add3A_330, %reduce_sum3A_344 : i32
    %eq3A_346 = arith.constant 1 : i32
    %eq3A_347 = vector.broadcast %eq3A_346 : i32 to vector<1x4096xi32>
    %eq3A_348 = arith.cmpi eq, %get3A_319, %eq3A_347 : vector<1x4096xi32>
    %broadcast_in_dim3A_349 = vector.broadcast %add3A_345 : i32 to vector<1x4096xi32>
    %select_n3A_350 = arith.select %eq3A_348, %broadcast_in_dim3A_349, %select_n3A_335 : vector<1x4096xi1>, vector<1x4096xi32>
    %eq3A_351 = arith.constant 2 : i32
    %eq3A_352 = vector.broadcast %eq3A_351 : i32 to vector<1x4096xi32>
    %eq3A_353 = arith.cmpi eq, %get3A_319, %eq3A_352 : vector<1x4096xi32>
    %convert_element_type3A_354 = arith.extui %eq3A_353 : vector<1x4096xi1> to vector<1x4096xi32>
    %reduce_sum3A_355 = vector.shape_cast %convert_element_type3A_354 : vector<1x4096xi32> to vector<1x1x4096xi32>
    %reduce_sum3A_356 = arith.constant dense<0> : vector<1xi32>
    %reduce_sum3A_357 = vector.multi_reduction <add>, %reduce_sum3A_355, %reduce_sum3A_356 [1, 2] : vector<1x1x4096xi32> to vector<1xi32>
    %reduce_sum3A_358 = vector.shape_cast %reduce_sum3A_357 : vector<1xi32> to vector<1x1x1xi32>
    %reduce_sum3A_359 = vector.extract %reduce_sum3A_358[0, 0, 0] : i32 from vector<1x1x1xi32>
    %add3A_360 = arith.addi %add3A_345, %reduce_sum3A_359 : i32
    %eq3A_361 = arith.constant 2 : i32
    %eq3A_362 = vector.broadcast %eq3A_361 : i32 to vector<1x4096xi32>
    %eq3A_363 = arith.cmpi eq, %get3A_319, %eq3A_362 : vector<1x4096xi32>
    %broadcast_in_dim3A_364 = vector.broadcast %add3A_360 : i32 to vector<1x4096xi32>
    %select_n3A_365 = arith.select %eq3A_363, %broadcast_in_dim3A_364, %select_n3A_350 : vector<1x4096xi1>, vector<1x4096xi32>
    %eq3A_366 = arith.constant 3 : i32
    %eq3A_367 = vector.broadcast %eq3A_366 : i32 to vector<1x4096xi32>
    %eq3A_368 = arith.cmpi eq, %get3A_319, %eq3A_367 : vector<1x4096xi32>
    %convert_element_type3A_369 = arith.extui %eq3A_368 : vector<1x4096xi1> to vector<1x4096xi32>
    %reduce_sum3A_370 = vector.shape_cast %convert_element_type3A_369 : vector<1x4096xi32> to vector<1x1x4096xi32>
    %reduce_sum3A_371 = arith.constant dense<0> : vector<1xi32>
    %reduce_sum3A_372 = vector.multi_reduction <add>, %reduce_sum3A_370, %reduce_sum3A_371 [1, 2] : vector<1x1x4096xi32> to vector<1xi32>
    %reduce_sum3A_373 = vector.shape_cast %reduce_sum3A_372 : vector<1xi32> to vector<1x1x1xi32>
    %reduce_sum3A_374 = vector.extract %reduce_sum3A_373[0, 0, 0] : i32 from vector<1x1x1xi32>
    %add3A_375 = arith.addi %add3A_360, %reduce_sum3A_374 : i32
    %eq3A_376 = arith.constant 3 : i32
    %eq3A_377 = vector.broadcast %eq3A_376 : i32 to vector<1x4096xi32>
    %eq3A_378 = arith.cmpi eq, %get3A_319, %eq3A_377 : vector<1x4096xi32>
    %broadcast_in_dim3A_379 = vector.broadcast %add3A_375 : i32 to vector<1x4096xi32>
    %select_n3A_380 = arith.select %eq3A_378, %broadcast_in_dim3A_379, %select_n3A_365 : vector<1x4096xi1>, vector<1x4096xi32>
    %eq3A_381 = arith.constant 4 : i32
    %eq3A_382 = vector.broadcast %eq3A_381 : i32 to vector<1x4096xi32>
    %eq3A_383 = arith.cmpi eq, %get3A_319, %eq3A_382 : vector<1x4096xi32>
    %convert_element_type3A_384 = arith.extui %eq3A_383 : vector<1x4096xi1> to vector<1x4096xi32>
    %reduce_sum3A_385 = vector.shape_cast %convert_element_type3A_384 : vector<1x4096xi32> to vector<1x1x4096xi32>
    %reduce_sum3A_386 = arith.constant dense<0> : vector<1xi32>
    %reduce_sum3A_387 = vector.multi_reduction <add>, %reduce_sum3A_385, %reduce_sum3A_386 [1, 2] : vector<1x1x4096xi32> to vector<1xi32>
    %reduce_sum3A_388 = vector.shape_cast %reduce_sum3A_387 : vector<1xi32> to vector<1x1x1xi32>
    %reduce_sum3A_389 = vector.extract %reduce_sum3A_388[0, 0, 0] : i32 from vector<1x1x1xi32>
    %add3A_390 = arith.addi %add3A_375, %reduce_sum3A_389 : i32
    %eq3A_391 = arith.constant 4 : i32
    %eq3A_392 = vector.broadcast %eq3A_391 : i32 to vector<1x4096xi32>
    %eq3A_393 = arith.cmpi eq, %get3A_319, %eq3A_392 : vector<1x4096xi32>
    %broadcast_in_dim3A_394 = vector.broadcast %add3A_390 : i32 to vector<1x4096xi32>
    %select_n3A_395 = arith.select %eq3A_393, %broadcast_in_dim3A_394, %select_n3A_380 : vector<1x4096xi1>, vector<1x4096xi32>
    %eq3A_396 = arith.constant 5 : i32
    %eq3A_397 = vector.broadcast %eq3A_396 : i32 to vector<1x4096xi32>
    %eq3A_398 = arith.cmpi eq, %get3A_319, %eq3A_397 : vector<1x4096xi32>
    %convert_element_type3A_399 = arith.extui %eq3A_398 : vector<1x4096xi1> to vector<1x4096xi32>
    %reduce_sum3A_400 = vector.shape_cast %convert_element_type3A_399 : vector<1x4096xi32> to vector<1x1x4096xi32>
    %reduce_sum3A_401 = arith.constant dense<0> : vector<1xi32>
    %reduce_sum3A_402 = vector.multi_reduction <add>, %reduce_sum3A_400, %reduce_sum3A_401 [1, 2] : vector<1x1x4096xi32> to vector<1xi32>
    %reduce_sum3A_403 = vector.shape_cast %reduce_sum3A_402 : vector<1xi32> to vector<1x1x1xi32>
    %reduce_sum3A_404 = vector.extract %reduce_sum3A_403[0, 0, 0] : i32 from vector<1x1x1xi32>
    %add3A_405 = arith.addi %add3A_390, %reduce_sum3A_404 : i32
    %eq3A_406 = arith.constant 5 : i32
    %eq3A_407 = vector.broadcast %eq3A_406 : i32 to vector<1x4096xi32>
    %eq3A_408 = arith.cmpi eq, %get3A_319, %eq3A_407 : vector<1x4096xi32>
    %broadcast_in_dim3A_409 = vector.broadcast %add3A_405 : i32 to vector<1x4096xi32>
    %select_n3A_410 = arith.select %eq3A_408, %broadcast_in_dim3A_409, %select_n3A_395 : vector<1x4096xi1>, vector<1x4096xi32>
    %eq3A_411 = arith.constant 6 : i32
    %eq3A_412 = vector.broadcast %eq3A_411 : i32 to vector<1x4096xi32>
    %eq3A_413 = arith.cmpi eq, %get3A_319, %eq3A_412 : vector<1x4096xi32>
    %convert_element_type3A_414 = arith.extui %eq3A_413 : vector<1x4096xi1> to vector<1x4096xi32>
    %reduce_sum3A_415 = vector.shape_cast %convert_element_type3A_414 : vector<1x4096xi32> to vector<1x1x4096xi32>
    %reduce_sum3A_416 = arith.constant dense<0> : vector<1xi32>
    %reduce_sum3A_417 = vector.multi_reduction <add>, %reduce_sum3A_415, %reduce_sum3A_416 [1, 2] : vector<1x1x4096xi32> to vector<1xi32>
    %reduce_sum3A_418 = vector.shape_cast %reduce_sum3A_417 : vector<1xi32> to vector<1x1x1xi32>
    %reduce_sum3A_419 = vector.extract %reduce_sum3A_418[0, 0, 0] : i32 from vector<1x1x1xi32>
    %add3A_420 = arith.addi %add3A_405, %reduce_sum3A_419 : i32
    %eq3A_421 = arith.constant 6 : i32
    %eq3A_422 = vector.broadcast %eq3A_421 : i32 to vector<1x4096xi32>
    %eq3A_423 = arith.cmpi eq, %get3A_319, %eq3A_422 : vector<1x4096xi32>
    %broadcast_in_dim3A_424 = vector.broadcast %add3A_420 : i32 to vector<1x4096xi32>
    %select_n3A_425 = arith.select %eq3A_423, %broadcast_in_dim3A_424, %select_n3A_410 : vector<1x4096xi1>, vector<1x4096xi32>
    %eq3A_426 = arith.constant 7 : i32
    %eq3A_427 = vector.broadcast %eq3A_426 : i32 to vector<1x4096xi32>
    %eq3A_428 = arith.cmpi eq, %get3A_319, %eq3A_427 : vector<1x4096xi32>
    %convert_element_type3A_429 = arith.extui %eq3A_428 : vector<1x4096xi1> to vector<1x4096xi32>
    %reduce_sum3A_430 = vector.shape_cast %convert_element_type3A_429 : vector<1x4096xi32> to vector<1x1x4096xi32>
    %reduce_sum3A_431 = arith.constant dense<0> : vector<1xi32>
    %reduce_sum3A_432 = vector.multi_reduction <add>, %reduce_sum3A_430, %reduce_sum3A_431 [1, 2] : vector<1x1x4096xi32> to vector<1xi32>
    %reduce_sum3A_433 = vector.shape_cast %reduce_sum3A_432 : vector<1xi32> to vector<1x1x1xi32>
    %reduce_sum3A_434 = vector.extract %reduce_sum3A_433[0, 0, 0] : i32 from vector<1x1x1xi32>
    %add3A_435 = arith.addi %add3A_420, %reduce_sum3A_434 : i32
    %eq3A_436 = arith.constant 7 : i32
    %eq3A_437 = vector.broadcast %eq3A_436 : i32 to vector<1x4096xi32>
    %eq3A_438 = arith.cmpi eq, %get3A_319, %eq3A_437 : vector<1x4096xi32>
    %broadcast_in_dim3A_439 = vector.broadcast %add3A_435 : i32 to vector<1x4096xi32>
    %select_n3A_440 = arith.select %eq3A_438, %broadcast_in_dim3A_439, %select_n3A_425 : vector<1x4096xi1>, vector<1x4096xi32>
    %eq3A_441 = arith.constant 8 : i32
    %eq3A_442 = vector.broadcast %eq3A_441 : i32 to vector<1x4096xi32>
    %eq3A_443 = arith.cmpi eq, %get3A_319, %eq3A_442 : vector<1x4096xi32>
    %convert_element_type3A_444 = arith.extui %eq3A_443 : vector<1x4096xi1> to vector<1x4096xi32>
    %reduce_sum3A_445 = vector.shape_cast %convert_element_type3A_444 : vector<1x4096xi32> to vector<1x1x4096xi32>
    %reduce_sum3A_446 = arith.constant dense<0> : vector<1xi32>
    %reduce_sum3A_447 = vector.multi_reduction <add>, %reduce_sum3A_445, %reduce_sum3A_446 [1, 2] : vector<1x1x4096xi32> to vector<1xi32>
    %reduce_sum3A_448 = vector.shape_cast %reduce_sum3A_447 : vector<1xi32> to vector<1x1x1xi32>
    %reduce_sum3A_449 = vector.extract %reduce_sum3A_448[0, 0, 0] : i32 from vector<1x1x1xi32>
    %add3A_450 = arith.addi %add3A_435, %reduce_sum3A_449 : i32
    %eq3A_451 = arith.constant 8 : i32
    %eq3A_452 = vector.broadcast %eq3A_451 : i32 to vector<1x4096xi32>
    %eq3A_453 = arith.cmpi eq, %get3A_319, %eq3A_452 : vector<1x4096xi32>
    %broadcast_in_dim3A_454 = vector.broadcast %add3A_450 : i32 to vector<1x4096xi32>
    %select_n3A_455 = arith.select %eq3A_453, %broadcast_in_dim3A_454, %select_n3A_440 : vector<1x4096xi1>, vector<1x4096xi32>
    %eq3A_456 = arith.constant 9 : i32
    %eq3A_457 = vector.broadcast %eq3A_456 : i32 to vector<1x4096xi32>
    %eq3A_458 = arith.cmpi eq, %get3A_319, %eq3A_457 : vector<1x4096xi32>
    %convert_element_type3A_459 = arith.extui %eq3A_458 : vector<1x4096xi1> to vector<1x4096xi32>
    %reduce_sum3A_460 = vector.shape_cast %convert_element_type3A_459 : vector<1x4096xi32> to vector<1x1x4096xi32>
    %reduce_sum3A_461 = arith.constant dense<0> : vector<1xi32>
    %reduce_sum3A_462 = vector.multi_reduction <add>, %reduce_sum3A_460, %reduce_sum3A_461 [1, 2] : vector<1x1x4096xi32> to vector<1xi32>
    %reduce_sum3A_463 = vector.shape_cast %reduce_sum3A_462 : vector<1xi32> to vector<1x1x1xi32>
    %reduce_sum3A_464 = vector.extract %reduce_sum3A_463[0, 0, 0] : i32 from vector<1x1x1xi32>
    %add3A_465 = arith.addi %add3A_450, %reduce_sum3A_464 : i32
    %eq3A_466 = arith.constant 9 : i32
    %eq3A_467 = vector.broadcast %eq3A_466 : i32 to vector<1x4096xi32>
    %eq3A_468 = arith.cmpi eq, %get3A_319, %eq3A_467 : vector<1x4096xi32>
    %broadcast_in_dim3A_469 = vector.broadcast %add3A_465 : i32 to vector<1x4096xi32>
    %select_n3A_470 = arith.select %eq3A_468, %broadcast_in_dim3A_469, %select_n3A_455 : vector<1x4096xi1>, vector<1x4096xi32>
    %eq3A_471 = arith.constant 10 : i32
    %eq3A_472 = vector.broadcast %eq3A_471 : i32 to vector<1x4096xi32>
    %eq3A_473 = arith.cmpi eq, %get3A_319, %eq3A_472 : vector<1x4096xi32>
    %convert_element_type3A_474 = arith.extui %eq3A_473 : vector<1x4096xi1> to vector<1x4096xi32>
    %reduce_sum3A_475 = vector.shape_cast %convert_element_type3A_474 : vector<1x4096xi32> to vector<1x1x4096xi32>
    %reduce_sum3A_476 = arith.constant dense<0> : vector<1xi32>
    %reduce_sum3A_477 = vector.multi_reduction <add>, %reduce_sum3A_475, %reduce_sum3A_476 [1, 2] : vector<1x1x4096xi32> to vector<1xi32>
    %reduce_sum3A_478 = vector.shape_cast %reduce_sum3A_477 : vector<1xi32> to vector<1x1x1xi32>
    %reduce_sum3A_479 = vector.extract %reduce_sum3A_478[0, 0, 0] : i32 from vector<1x1x1xi32>
    %add3A_480 = arith.addi %add3A_465, %reduce_sum3A_479 : i32
    %eq3A_481 = arith.constant 10 : i32
    %eq3A_482 = vector.broadcast %eq3A_481 : i32 to vector<1x4096xi32>
    %eq3A_483 = arith.cmpi eq, %get3A_319, %eq3A_482 : vector<1x4096xi32>
    %broadcast_in_dim3A_484 = vector.broadcast %add3A_480 : i32 to vector<1x4096xi32>
    %select_n3A_485 = arith.select %eq3A_483, %broadcast_in_dim3A_484, %select_n3A_470 : vector<1x4096xi1>, vector<1x4096xi32>
    %eq3A_486 = arith.constant 11 : i32
    %eq3A_487 = vector.broadcast %eq3A_486 : i32 to vector<1x4096xi32>
    %eq3A_488 = arith.cmpi eq, %get3A_319, %eq3A_487 : vector<1x4096xi32>
    %convert_element_type3A_489 = arith.extui %eq3A_488 : vector<1x4096xi1> to vector<1x4096xi32>
    %reduce_sum3A_490 = vector.shape_cast %convert_element_type3A_489 : vector<1x4096xi32> to vector<1x1x4096xi32>
    %reduce_sum3A_491 = arith.constant dense<0> : vector<1xi32>
    %reduce_sum3A_492 = vector.multi_reduction <add>, %reduce_sum3A_490, %reduce_sum3A_491 [1, 2] : vector<1x1x4096xi32> to vector<1xi32>
    %reduce_sum3A_493 = vector.shape_cast %reduce_sum3A_492 : vector<1xi32> to vector<1x1x1xi32>
    %reduce_sum3A_494 = vector.extract %reduce_sum3A_493[0, 0, 0] : i32 from vector<1x1x1xi32>
    %add3A_495 = arith.addi %add3A_480, %reduce_sum3A_494 : i32
    %eq3A_496 = arith.constant 11 : i32
    %eq3A_497 = vector.broadcast %eq3A_496 : i32 to vector<1x4096xi32>
    %eq3A_498 = arith.cmpi eq, %get3A_319, %eq3A_497 : vector<1x4096xi32>
    %broadcast_in_dim3A_499 = vector.broadcast %add3A_495 : i32 to vector<1x4096xi32>
    %select_n3A_500 = arith.select %eq3A_498, %broadcast_in_dim3A_499, %select_n3A_485 : vector<1x4096xi1>, vector<1x4096xi32>
    %eq3A_501 = arith.constant 12 : i32
    %eq3A_502 = vector.broadcast %eq3A_501 : i32 to vector<1x4096xi32>
    %eq3A_503 = arith.cmpi eq, %get3A_319, %eq3A_502 : vector<1x4096xi32>
    %convert_element_type3A_504 = arith.extui %eq3A_503 : vector<1x4096xi1> to vector<1x4096xi32>
    %reduce_sum3A_505 = vector.shape_cast %convert_element_type3A_504 : vector<1x4096xi32> to vector<1x1x4096xi32>
    %reduce_sum3A_506 = arith.constant dense<0> : vector<1xi32>
    %reduce_sum3A_507 = vector.multi_reduction <add>, %reduce_sum3A_505, %reduce_sum3A_506 [1, 2] : vector<1x1x4096xi32> to vector<1xi32>
    %reduce_sum3A_508 = vector.shape_cast %reduce_sum3A_507 : vector<1xi32> to vector<1x1x1xi32>
    %reduce_sum3A_509 = vector.extract %reduce_sum3A_508[0, 0, 0] : i32 from vector<1x1x1xi32>
    %add3A_510 = arith.addi %add3A_495, %reduce_sum3A_509 : i32
    %eq3A_511 = arith.constant 12 : i32
    %eq3A_512 = vector.broadcast %eq3A_511 : i32 to vector<1x4096xi32>
    %eq3A_513 = arith.cmpi eq, %get3A_319, %eq3A_512 : vector<1x4096xi32>
    %broadcast_in_dim3A_514 = vector.broadcast %add3A_510 : i32 to vector<1x4096xi32>
    %select_n3A_515 = arith.select %eq3A_513, %broadcast_in_dim3A_514, %select_n3A_500 : vector<1x4096xi1>, vector<1x4096xi32>
    %eq3A_516 = arith.constant 13 : i32
    %eq3A_517 = vector.broadcast %eq3A_516 : i32 to vector<1x4096xi32>
    %eq3A_518 = arith.cmpi eq, %get3A_319, %eq3A_517 : vector<1x4096xi32>
    %convert_element_type3A_519 = arith.extui %eq3A_518 : vector<1x4096xi1> to vector<1x4096xi32>
    %reduce_sum3A_520 = vector.shape_cast %convert_element_type3A_519 : vector<1x4096xi32> to vector<1x1x4096xi32>
    %reduce_sum3A_521 = arith.constant dense<0> : vector<1xi32>
    %reduce_sum3A_522 = vector.multi_reduction <add>, %reduce_sum3A_520, %reduce_sum3A_521 [1, 2] : vector<1x1x4096xi32> to vector<1xi32>
    %reduce_sum3A_523 = vector.shape_cast %reduce_sum3A_522 : vector<1xi32> to vector<1x1x1xi32>
    %reduce_sum3A_524 = vector.extract %reduce_sum3A_523[0, 0, 0] : i32 from vector<1x1x1xi32>
    %add3A_525 = arith.addi %add3A_510, %reduce_sum3A_524 : i32
    %eq3A_526 = arith.constant 13 : i32
    %eq3A_527 = vector.broadcast %eq3A_526 : i32 to vector<1x4096xi32>
    %eq3A_528 = arith.cmpi eq, %get3A_319, %eq3A_527 : vector<1x4096xi32>
    %broadcast_in_dim3A_529 = vector.broadcast %add3A_525 : i32 to vector<1x4096xi32>
    %select_n3A_530 = arith.select %eq3A_528, %broadcast_in_dim3A_529, %select_n3A_515 : vector<1x4096xi1>, vector<1x4096xi32>
    %eq3A_531 = arith.constant 14 : i32
    %eq3A_532 = vector.broadcast %eq3A_531 : i32 to vector<1x4096xi32>
    %eq3A_533 = arith.cmpi eq, %get3A_319, %eq3A_532 : vector<1x4096xi32>
    %convert_element_type3A_534 = arith.extui %eq3A_533 : vector<1x4096xi1> to vector<1x4096xi32>
    %reduce_sum3A_535 = vector.shape_cast %convert_element_type3A_534 : vector<1x4096xi32> to vector<1x1x4096xi32>
    %reduce_sum3A_536 = arith.constant dense<0> : vector<1xi32>
    %reduce_sum3A_537 = vector.multi_reduction <add>, %reduce_sum3A_535, %reduce_sum3A_536 [1, 2] : vector<1x1x4096xi32> to vector<1xi32>
    %reduce_sum3A_538 = vector.shape_cast %reduce_sum3A_537 : vector<1xi32> to vector<1x1x1xi32>
    %reduce_sum3A_539 = vector.extract %reduce_sum3A_538[0, 0, 0] : i32 from vector<1x1x1xi32>
    %add3A_540 = arith.addi %add3A_525, %reduce_sum3A_539 : i32
    %eq3A_541 = arith.constant 14 : i32
    %eq3A_542 = vector.broadcast %eq3A_541 : i32 to vector<1x4096xi32>
    %eq3A_543 = arith.cmpi eq, %get3A_319, %eq3A_542 : vector<1x4096xi32>
    %broadcast_in_dim3A_544 = vector.broadcast %add3A_540 : i32 to vector<1x4096xi32>
    %select_n3A_545 = arith.select %eq3A_543, %broadcast_in_dim3A_544, %select_n3A_530 : vector<1x4096xi1>, vector<1x4096xi32>
    %eq3A_546 = arith.constant 15 : i32
    %eq3A_547 = vector.broadcast %eq3A_546 : i32 to vector<1x4096xi32>
    %eq3A_548 = arith.cmpi eq, %get3A_319, %eq3A_547 : vector<1x4096xi32>
    %convert_element_type3A_549 = arith.extui %eq3A_548 : vector<1x4096xi1> to vector<1x4096xi32>
    %reduce_sum3A_550 = vector.shape_cast %convert_element_type3A_549 : vector<1x4096xi32> to vector<1x1x4096xi32>
    %reduce_sum3A_551 = arith.constant dense<0> : vector<1xi32>
    %reduce_sum3A_552 = vector.multi_reduction <add>, %reduce_sum3A_550, %reduce_sum3A_551 [1, 2] : vector<1x1x4096xi32> to vector<1xi32>
    %reduce_sum3A_553 = vector.shape_cast %reduce_sum3A_552 : vector<1xi32> to vector<1x1x1xi32>
    %reduce_sum3A_554 = vector.extract %reduce_sum3A_553[0, 0, 0] : i32 from vector<1x1x1xi32>
    %add3A_555 = arith.addi %add3A_540, %reduce_sum3A_554 : i32
    %eq3A_556 = arith.constant 15 : i32
    %eq3A_557 = vector.broadcast %eq3A_556 : i32 to vector<1x4096xi32>
    %eq3A_558 = arith.cmpi eq, %get3A_319, %eq3A_557 : vector<1x4096xi32>
    %broadcast_in_dim3A_559 = vector.broadcast %add3A_555 : i32 to vector<1x4096xi32>
    %select_n3A_560 = arith.select %eq3A_558, %broadcast_in_dim3A_559, %select_n3A_545 : vector<1x4096xi1>, vector<1x4096xi32>
    %get3A_561 = arith.constant 0 : index
    %get3A_562 = arith.constant 0 : index
    %get3A_563 = vector.load %arg5[%get3A_561, %get3A_562] : memref<1x4096xi32, #tpu.memory_space<vmem>>, vector<1x4096xi32>
    %mul3A = arith.constant 8192 : i32
    %mul3A_564 = vector.broadcast %mul3A : i32 to vector<1x4096xi32>
    %mul3A_565 = arith.muli %get3A_563, %mul3A_564 : vector<1x4096xi32>
    %add3A_566 = arith.addi %select_n3A_560, %mul3A_565 : vector<1x4096xi32>
    %mul3A_567 = arith.constant 4194304 : i32
    %mul3A_568 = vector.broadcast %mul3A_567 : i32 to vector<1x4096xi32>
    %mul3A_569 = arith.muli %get3A_319, %mul3A_568 : vector<1x4096xi32>
    %add3A_570 = arith.addi %add3A_566, %mul3A_569 : vector<1x4096xi32>
    %bitcast_convert_type3A = tpu.bitcast %add3A_570 : vector<1x4096xi32> -> vector<1x4096xf32>
    %swap3A_571 = arith.constant 5 : index
    %swap3A_572 = arith.constant 0 : index
    %swap3A_573 = vector.load %arg6[%swap3A_571, %swap3A_572] : memref<6x4096xf32, #tpu.memory_space<vmem>>, vector<1x4096xf32>
    tpu.vector_store %arg6[%swap3A_571, %swap3A_572], %bitcast_convert_type3A {strides = array<i32>} : memref<6x4096xf32, #tpu.memory_space<vmem>>, vector<1x4096xf32>,
    return
  }
}

</mosaic_0001>

<sc_bundles>
// kernel: kernel.4.cloned.1.call-start
scs
__scs_entry_jumppad:
0x0: {  	(pc) =	sbr.rel $0x88, $3  }
0x1: {  	(tag) =	ssettag $0x0;
	lr =	simm.s32 $0x1  }
0x2: {  	[smem:$0x3F9B] =	sst lr;
	_ =	strace $0xD0000000  }
0x3: {  	_ = 	snop  }
0x4: {  	_ = 	snop  }
0x5: {  	_ = 	snop  }
0x6: {  	_ = 	snop  }
0x7: {  	_ = 	snop  }
__scs_overlays_trampoline_lowered:
0x8: {  	[smem:$0x3FAA] =	sst s0  }
0x9: {  	[smem:$0x3FAB] =	sst s1  }
0xa: {  	[smem:$0x3FAC] =	sst s2  }
0xb: {  	[smem:$0x3FAD] =	sst s3  }
0xc: {  	[smem:$0x3FAE] =	sst s4  }
0xd: {  	[smem:$0x3FAF] =	sst s5  }
0xe: {  	[smem:$0x3FB0] =	sst s6  }
0xf: {  	[smem:$0x3FB1] =	sst s7  }
0x10: {  	[smem:$0x3FB2] =	sst s8  }
0x11: {  	[smem:$0x3FB3] =	sst s9;
	s0 =	simm.s32 @!p0 $0x0  }
0x12: {  	s1 =	sld [smem:$0x3F99];
	s0 =	simm.s32 @p0 $0x1  }
0x13: {  	[smem:$0x3FB4] =	sst s0;
	s0 =	simm.s32 @!p1 $0x0  }
0x14: {  	s2 =	sld [smem:$0x3F98];
	s0 =	simm.s32 @p1 $0x1  }
0x15: {  	[smem:$0x3FB5] =	sst s0;
	s0 =	simm.s32 @!p2 $0x0  }
0x16: {  	s3 =	sld [smem:$0x3FDB];
	s0 =	simm.s32 @p2 $0x1  }
0x17: {  	s4 =	simm.s32 $0x1BF5;
	[smem:$0x3FB7] =	sst s0  }
0x18: {  	s0 =	sld [smem:$0x3F9A];
	_ =	swait.ge [sflag:s4], $0x0  }
0x19: {  	s7 =	sld [smem:$0x3F9B]  }
0x1a: {  	s8 =	sadd.s32 $0xFFFFE003, lr  }
0x1b: {  	s9 =	sadd.s32 $0xFFFFFEF7, lr;
	s5 =	simm.s32 $0xFFFFFFFF;
	p2 =	slt.u32 s8, $0xFFFFF086  }
0x1c: {  	p1 =	slt.u32 s9, $0xF7A;
	s5 =	simm.s32 @!p2 $0x0  }
0x1d: {  	s5 =	simm.s32 @p1 $0x1;
	p0 =	seq.s32 s7, s2  }
0x1e: {  	s7 =	smul.u32 @!p0 $0xF7A, s2;
	p2 =	seq.s32 @!p0 s5, $0x0  }
0x1f: {  	s9 =	smul.u32 $0xF7A, s1;
	s8 =	simm.s32 @!p0 $0x1BF5;
	p2 =	por !p2, p0  }
0x20: {  	[sflag:s8] =	ssyncset.s32 @!p0 $0xFFFFF086;
	s6 =	sadd.s32 @!p0 s3, s7;
	s7 =	simm.s32 @!p0 $0x108  }
0x21: {  	s3 =	sadd.s32 s3, s9;
	s6 =	sadd.s32 @!p0 $0x88, s6;
	s7 =	simm.s32 @p2 $0x1082  }
0x22: {  	[simem:s7], [sflag:s8] =	dma.local @!p0 [hbm:s6], $0xF7A  }
0x23: {  	s9 =	sor.u32 $0xD0000000, s2;
	s6 =	simm.s32 $0x108;
	_ =	swait.ge @!p0 [sflag:s8], $0x0  }
0x24: {  	s3 =	sadd.s32 $0x88, s3;
	s6 =	simm.s32 @!p1 $0x1082;
	[sflag:s4] =	ssyncset.s32 $0xFFFFF086  }
0x25: {  	[simem:s6], [sflag:s4] =	dma.local [hbm:s3], $0xF7A  }
0x26: {  	[smem:$0x3F9B] =	sst s1;
	(tag) =	ssettag s2;
	_ =	strace s9  }
0x27: {  	s1 =	sld [smem:$0x3FAB]  }
0x28: {  	s2 =	sld [smem:$0x3FAC]  }
0x29: {  	s4 =	sld [smem:$0x3FAE]  }
0x2a: {  	p0 =	seq.s32 s5, $0x0;
	s5 =	sld [smem:$0x3FAF]  }
0x2b: {  	s6 =	sld [smem:$0x3FB0]  }
0x2c: {  	s7 =	sld [smem:$0x3FB1]  }
0x2d: {  	s3 =	simm.s32 $0x108;
	s8 =	sld [smem:$0x3FB2]  }
0x2e: {  	s3 =	simm.s32 @!p0 $0x1082;
	s9 =	sld [smem:$0x3FB3]  }
0x2f: {  	lr =	sadd.s32 s0, s3;
	s0 =	sld [smem:$0x3FAA]  }
0x30: {  	s3 =	sld [smem:$0x3FAD]  }
0x31: {  	[smem:$0x3FB6] =	sst s10  }
0x32: {  	s10 =	sld [smem:$0x3FB4];
	_ =	sdelay $0x3  }
0x33: {  	p0 =	seq.s32 s10, $0x1;
	s10 =	sld [smem:$0x3FB6];
	_ =	sdelay $0x3  }
0x34: {  	[smem:$0x3FB6] =	sst s10  }
0x35: {  	s10 =	sld [smem:$0x3FB5];
	_ =	sdelay $0x3  }
0x36: {  	p1 =	seq.s32 s10, $0x1;
	s10 =	sld [smem:$0x3FB6];
	_ =	sdelay $0x3  }
0x37: {  	[smem:$0x3FB6] =	sst s10  }
0x38: {  	s10 =	sld [smem:$0x3FB7]  }
0x39: {  	_ = 	snop;
	(pc) =	sbr.ind lr, $3  }
0x3a: {  	_ = 	snop  }
0x3b: {  	_ = 	snop  }
0x3c: {  	p2 =	seq.s32 s10, $0x1;
	s10 =	sld [smem:$0x3FB6]  }
0x3d: {  	_ =	shalt  }
0x3e: {  	_ =	shalt  }
0x3f: {  	_ =	shalt  }
0x40: {  	_ =	shalt  }
0x41: {  	_ =	shalt  }
0x42: {  	_ =	shalt  }
0x43: {  	_ =	shalt  }
0x44: {  	_ =	shalt  }
0x45: {  	_ =	shalt  }
0x46: {  	_ =	shalt  }
0x47: {  	_ =	shalt  }
0x48: {  	_ =	shalt  }
0x49: {  	_ =	shalt  }
0x4a: {  	_ =	shalt  }
0x4b: {  	_ =	shalt  }
0x4c: {  	_ =	shalt  }
0x4d: {  	_ =	shalt  }
0x4e: {  	_ =	shalt  }
0x4f: {  	_ =	shalt  }
0x50: {  	_ =	shalt  }
0x51: {  	_ =	shalt  }
0x52: {  	_ =	shalt  }
0x53: {  	_ =	shalt  }
0x54: {  	_ =	shalt  }
0x55: {  	_ =	shalt  }
0x56: {  	_ =	shalt  }
0x57: {  	_ =	shalt  }
0x58: {  	_ =	shalt  }
0x59: {  	_ =	shalt  }
0x5a: {  	_ =	shalt  }
0x5b: {  	_ =	shalt  }
0x5c: {  	_ =	shalt  }
0x5d: {  	_ =	shalt  }
0x5e: {  	_ =	shalt  }
0x5f: {  	_ =	shalt  }
0x60: {  	_ =	shalt  }
0x61: {  	_ =	shalt  }
0x62: {  	_ =	shalt  }
0x63: {  	_ =	shalt  }
0x64: {  	_ =	shalt  }
0x65: {  	_ =	shalt  }
0x66: {  	_ =	shalt  }
0x67: {  	_ =	shalt  }
0x68: {  	_ =	shalt  }
0x69: {  	_ =	shalt  }
0x6a: {  	_ =	shalt  }
0x6b: {  	_ =	shalt  }
0x6c: {  	_ =	shalt  }
0x6d: {  	_ =	shalt  }
0x6e: {  	_ =	shalt  }
0x6f: {  	_ =	shalt  }
0x70: {  	_ =	shalt  }
0x71: {  	_ =	shalt  }
0x72: {  	_ =	shalt  }
0x73: {  	_ =	shalt  }
0x74: {  	_ =	shalt  }
0x75: {  	_ =	shalt  }
0x76: {  	_ =	shalt  }
0x77: {  	_ =	shalt  }
0x78: {  	_ =	shalt  }
0x79: {  	_ =	shalt  }
0x7a: {  	_ =	shalt  }
0x7b: {  	_ =	shalt  }
0x7c: {  	_ =	shalt  }
0x7d: {  	_ =	shalt  }
0x7e: {  	_ =	shalt  }
0x7f: {  	_ =	shalt  }
0x80: {  	_ =	shalt  }
0x81: {  	_ =	shalt  }
0x82: {  	_ =	shalt  }
0x83: {  	_ =	shalt  }
0x84: {  	_ =	shalt  }
0x85: {  	_ =	shalt  }
0x86: {  	_ =	shalt  }
0x87: {  	_ =	shalt  }
.Lfunc_end0:
.L_simem_size_0:
called_computation_lowered:
.L_overlay_start_0:
0x88: {  	s2 =	sld [smem:$0x3FD9]  }
0x89: {  	s3 =	sld [smem:$0x3FFE];
	_ =	sdelay $0x1  }
0x8a: {  	s1 =	srdreg.scid  }
0x8b: {  	s0 =	sand.u32 $0x1, s1  }
0x8c: {  	s16 =	sshll.u32 s0, $0xA;
	s2 =	sadd.s32 s3, s2  }
0x8d: {  	s2 =	sadd.s32 s2, s16  }
0x8e: {  	[smem:$0x3FC2] =	sst s2  }
0x8f: {  	_ = 	snop  }
0x90: {  	(tm) =	ssettm $0x1  }
0x91: {  	s17 =	sld [smem:$0x3FFB];
	_ =	sdelay $0x3  }
0x92: {  	_ =	strace s17  }
0x93: {  	s2 =	sld [smem:$0x3FFC];
	_ =	sdelay $0x3  }
0x94: {  	_ =	strace s2  }
0x95: {  	s2 =	sld [smem:$0x3FFD];
	_ =	sdelay $0x3  }
0x96: {  	_ =	strace s2  }
0x97: {  	_ =	strace $0x8FFFFFFF  }
0x98: {  	s18 =	sld [smem:$0x3FDB];
	_ =	sdelay $0x1  }
0x99: {  	s19 =	simm.s32 $_scs_section_size  }
0x9a: {  	s4 =	simm.s32 $_size__tile_overlayer_lowered;
	s5 =	simm.s32 $_tile_overlayer_lowered  }
0x9b: {  	s22 =	simm.s32 $0x1BFF;
	s21 =	sshll.u32 s5, $0x1;
	s2 =	sadd.s32 s19, s18  }
0x9c: {  	s6 =	simm.s32 $0x0;
	s20 =	sshll.u32 s4, $0x1;
	s4 =	sadd.s32 s21, s2  }
0x9d: {  	[timem:s6], [sflag:s22] =	dma.local [hbm:s4], s20  }
0x9e: {  	_ =	swait.ge [sflag:s22], s20  }
0x9f: {  	s3 =	ssub.s32 $0x0, s20;
	[sflag:s22] =	ssyncset.done $0x0  }
0xa0: {  	[sflag:s22] =	ssyncadd.s32 s3;
	_ =	sdelay $0x1  }
0xa1: {  	s23 =	simm.s32 $0x1B8B  }
0xa2: {  	_ =	swait.ge [sflag:s23], $0x1  }
0xa3: {  	[sflag:s23] =	ssyncset.done $0x0  }
0xa4: {  	s25 =	simm.s32 $0x1B8E;
	s24 =	sld [smem:$0x3FFE];
	[sflag:s23] =	ssyncadd.s32 $0xFFFFFFFF  }
0xa5: {  	s26 =	simm.s32 $execute0_lowered;
	[smem:$0x3FD2] =	sst s25  }
0xa6: {  	s4 =	sshll.u32 s26, $0x1;
	_ =	strace $0x80000046;
	[dreg:$0x1] =	wrdreg $0xFFFFFFFF  }
0xa7: {  	s28 =	simm.s32 $_size_execute0_lowered;
	s2 =	sadd.s32 s2, s4;
	[dreg:$0x0] =	wrdreg $0x0  }
0xa8: {  	s4 =	sshll.u32 s28, $0x1;
	[dreg:$0x2] =	wrdreg s2  }
0xa9: {  	[dreg:$0x3] =	wrdreg s4  }
0xaa: {  	[dreg:$0x4] =	wrdreg $0xC0  }
0xab: {  	_ =	task [dreg:s6], $0x5FFFF  }
0xac: {  	[dreg:$0x1] =	wrdreg $0xFFFFFFFF  }
0xad: {  	[dreg:$0x0] =	wrdreg $0x60  }
0xae: {  	[dreg:$0x2] =	wrdreg s24  }
0xaf: {  	[dreg:$0x3] =	wrdreg $0x80000  }
0xb0: {  	[dreg:$0x4] =	wrdreg $0x9  }
0xb1: {  	_ =	task.clear_ibuf [dreg:s6], $0x5FFFF;
	_ =	strace $0x90000046  }
0xb2: {  	s29 =	simm.s32 $0x9;
	_ =	strace $0x80000048  }
0xb3: {  	_ =	swait.ge [sflag:s29], $0x1  }
0xb4: {  	[sflag:s29] =	ssyncadd.s32 $0xFFFFFFFF  }
0xb5: {  	_ =	strace $0x90000048  }
0xb6: {  	_ =	sfence  }
0xb7: {  	s30 =	sld [smem:$0x0];
	_ =	sdelay $0x2  }
0xb8: {  	s31 =	sshll.u32 s1, $0xD;
	s1 =	sshrl.u32 s1, $0x2  }
0xb9: {  	s3 =	sand.u32 $0x4000, s31;
	s1 =	sadd.s32 s1, s30  }
0xba: {  	s0 =	sor.u32 s3, s0;
	s1 =	sshll.u32 s1, $0x11  }
0xbb: {  	s0 =	sor.u32 s1, s0  }
0xbc: {  	s0 =	sadd.s32 $0x8F2B, s0  }
0xbd: {  	[sflag:s0] =	ssyncadd.remote.s32 $0x1  }
0xbe: {  	_ =	sfence.sel $0xFFFF  }
0xbf: {  	[dreg:$0x0] =	wrdreg $0xFFFFFFFF;
	(pc) =	sbr.abs _section_cstart, $3  }
0xc0: {  	[dreg:$0x1] =	wrdreg $0xFFFFFFFF  }
0xc1: {  	_ =	task.clear_ibuf [dreg:s6], $0x2FFFF;
	_ =	strace $0x9FFFFFFF  }
0xc2: {  	(tm) =	ssettm $0x7FFFFFFF  }
0xc3: {  	_ =	shalt  }
tec
execute0_lowered:
.L_overlay_start_1:
0x0: {  	(tag) =	ssettag $0x1  }
0x1: {  	s4 =	rddreg [dreg:$0x0]  }
0x2: {  	s2 =	rddreg [dreg:$0x1]  }
0x3: {  	s0 =	rddreg [dreg:$0x2];
	s3 =	simm.s32 $0x0  }
0x4: {  	s1 =	stileid.u32;
	s5 =	srdreg.scid;
	s12 =	simm.s32 $0x8600  }
0x5: {  	s13 =	simm.s32 $0x1;
	s14 =	simm.s32 $0x8E00;
	s15 =	simm.s32 $0x0  }
0x6: {  	[smem:$0x7FF] =	sst s3;
	s5 =	sand.u32 $0x1, s5;
	s6 =	sshll.u32 s1, $0x1  }
0x7: {  	s7 =	sshll.u32 s1, $0x8;
	s31 =	sshll.u32 s1, $0xB;
	s11 =	sshll.u32 s1, $0x3  }
0x8: {  	s10 =	sshll.u32 s1, $0x6;
	_ =	strace $0x80000047;
	s6 =	sor.u32 s5, s6  }
.Ltmp0:
0x9: {  	s5 =	ssub.s32 $0x2, s5;
	s7 =	sadd.s32 s7, s4;
	(pc) =	sbr.rel .LBB2_1-.Ltmp0, $4  }
0xa: {  	s10 =	sand.u32 $0x380, s10;
	s8 =	sshll.u32 s6, $0x5;
	s9 =	sshrl.u32 s5, $0x1  }
0xb: {  	s11 =	sand.u32 $0x70, s11;
	s8 =	sadd.s32 s8, s4;
	s9 =	ssub.s32 s5, s9  }
0xc: {  	s4 =	sadd.s32 $0xE00, s7;
	s5 =	sshll.u32 s6, $0x2;
	s6 =	sadd.s32 s31, s2  }
0xd: {  	v0 =	vimm.f32 $0.0e+00;
	v1 =	vlaneseq.u32;
	s7 =	sand.u32 $0x70, s5;
	s8 =	sadd.s32 $0x1E00, s8;
	s9 =	smax.u32 s9, $0x1  }
.LBB2_21:
0xe: {  	s15 =	sadd.s32 $0x1, s15  }
0xf: {  	p0 =	sne.s32 s15, s9  }
.Ltmp1:
0x10: {  	_ = 	snop;
	(pc) =	sbr.rel @!p0 .LBB2_22-.Ltmp1, $4  }
0x11: {  	[hbm4b:s8+s3] =	stream.linear.scatter [tilespmem:s14], [sflag:$0x1], $0x100, $0x38;
	[tilespmem:$0x8F00] =	vst v63  }
0x12: {  	_ =	swait.ge [sflag:s13], $0x100  }
0x13: {  	[sflag:s13] =	ssyncset.done $0x0  }
0x14: {  	[sflag:s13] =	ssyncadd.s32 $0xFFFFFF00  }
.LBB2_1:
0x15: {  	[tilespmem:s12], [sflag:$0x1] =	stream.linear.gather [hbm4b:s4+s3], $0x800, $0x38;
	[tilespmem:$0x8F00] =	vst v63  }
0x16: {  	_ =	swait.ge [sflag:s13], $0x800  }
0x17: {  	[sflag:s13] =	ssyncset.done $0x0  }
0x18: {  	[sflag:s13] =	ssyncadd.s32 $0xFFFFF800  }
0x19: {  	[spmem:s6] =	stream.linear.scatter [tilespmem:s12], [sflag:$0x1], $0x800, $0x38;
	[tilespmem:$0x8F00] =	vst v63  }
0x1a: {  	_ =	swait.ge [sflag:s13], $0x800  }
0x1b: {  	[sflag:s13] =	ssyncset.done $0x0  }
0x1c: {  	[sflag:s13] =	ssyncadd.s32 $0xFFFFF800  }
0x1d: {  	[tilespmem:$0x8E00] =	vst v0  }
0x1e: {  	[tilespmem:$0x8E10] =	vst v0  }
0x1f: {  	[tilespmem:$0x8E20] =	vst v0  }
0x20: {  	[tilespmem:$0x8E30] =	vst v0  }
0x21: {  	[tilespmem:$0x8E40] =	vst v0  }
0x22: {  	[tilespmem:$0x8E50] =	vst v0  }
0x23: {  	[tilespmem:$0x8E60] =	vst v0  }
0x24: {  	[tilespmem:$0x8E70] =	vst v0  }
0x25: {  	[tilespmem:$0x8E80] =	vst v0  }
0x26: {  	[tilespmem:$0x8E90] =	vst v0  }
0x27: {  	[tilespmem:$0x8EA0] =	vst v0  }
0x28: {  	[tilespmem:$0x8EB0] =	vst v0  }
0x29: {  	[tilespmem:$0x8EC0] =	vst v0  }
0x2a: {  	[tilespmem:$0x8ED0] =	vst v0  }
0x2b: {  	[tilespmem:$0x8EE0] =	vst v0  }
0x2c: {  	[tilespmem:$0x8EF0] =	vst v0  }
.Ltmp2:
0x2d: {  	[bflag:$0x0] =	sbarrier.arrive $0xFFFF;
	(pc) =	sbr.rel .LBB2_2-.Ltmp2, $4  }
0x2e: {  	[tilespmem:s3], [sflag:$0x1] =	stream.linear.gather [spmem:s2], $0x8000, $0x38;
	[tilespmem:$0x8F00] =	vst v63  }
0x2f: {  	_ =	swait.ge [sflag:s13], $0x8000  }
0x30: {  	s16 =	smov.u32 s11;
	[sflag:s13] =	ssyncset.done $0x0  }
0x31: {  	s17 =	smov.u32 s10;
	s18 =	simm.s32 $0x0;
	[sflag:s13] =	ssyncadd.s32 $0xFFFF8000  }
.LBB2_6:
0x32: {  	v42 =	vmovc v36;
	v39 =	vmov v35;
	v40 =	vmov v22;
	v41 =	vmov v37  }
.LBB2_19:
0x33: {  	v52 =	vmul.f32 @p0 v45, v45;
	v46 =	vmul.f32 @p0 v50, v46  }
0x34: {  	v51 =	vld [tilespmem:s19+$0x0];
	v42 =	vadd.f32 @p1 v48, v42;
	v48 =	vmul.f32 @p0 v47, v47;
	v50 =	vor.u32 @p0 s22, v1  }
0x35: {  	v53 =	vld [tilespmem:s19+$0x80];
	v44 =	vmul.f32 @p0 v49, v44;
	v54 =	vor.u32 s20, v1;
	v43 =	vshrl.u32 @p0 v43, $0xD  }
0x36: {  	v61 =	vld [tilespmem:s19+$0x100];
	vm0 =	vlt.s32 @p0 v50, v18;
	vm3 =	vlt.s32 @p0 v50, v10;
	vm4 =	vlt.s32 @p0 v50, v12  }
0x37: {  	vm5 =	vlt.s32 @p0 v50, v11;
	vm7 =	vlt.s32 v54, v18;
	vm12 =	vlt.s32 v54, v10  }
0x38: {  	vm13 =	vlt.s32 v54, v12;
	vm14 =	vlt.s32 v54, v11;
	v46 =	vmul.f32 @p0 v46, v38  }
0x39: {  	vm1 =	vne.s32 @p0 v43, v17;
	v45 =	vmul.f32 @p0 v52, v45;
	v25 =	vsub.f32 v25, v51  }
0x3a: {  	v47 =	vmul.f32 @p0 v48, v47;
	v32 =	vsub.f32 v32, v51;
	v33 =	vsub.f32 v33, v53  }
0x3b: {  	vm2 =	vne.s32 @p0 v43, v15;
	v23 =	vsub.f32 v23, v53;
	v34 =	vsub.f32 v34, v61  }
0x3c: {  	vm0 =	vmand @p0 vm0, vm1;
	v26 =	vsub.f32 v26, v51;
	v27 =	vsub.f32 v27, v53  }
0x3d: {  	v31 =	vsub.f32 v31, v51;
	v32 =	vmul.f32 v32, v32;
	v33 =	vmul.f32 v33, v33  }
0x3e: {  	vm1 =	vne.s32 @p0 v43, v13;
	v30 =	vsub.f32 v30, v53;
	v20 =	vsub.f32 v20, v61  }
0x3f: {  	v24 =	vsub.f32 v24, v61;
	v62 =	vmul.f32 v34, v34;
	v32 =	vadd.f32 v33, v32  }
0x40: {  	v29 =	vsub.f32 v29, v61;
	v25 =	vmul.f32 v25, v25;
	v23 =	vmul.f32 v23, v23  }
0x41: {  	v26 =	vmul.f32 v26, v26;
	v27 =	vmul.f32 v27, v27;
	v32 =	vadd.f32 v62, v32  }
0x42: {  	v31 =	vmul.f32 v31, v31;
	v20 =	vmul.f32 v20, v20;
	v23 =	vadd.f32 v23, v25  }
0x43: {  	v30 =	vmul.f32 v30, v30;
	v24 =	vmul.f32 v24, v24;
	v63 =	vmax.f32 v32, $9.999999770e-03  }
0x44: {  	v26 =	vadd.f32 v27, v26;
	v20 =	vadd.f32 v20, v23;
	(erf) = vrcp.f32 v63  }
0x45: {  	v46 =	vnsel @p0 vm0, $0x0, v46;
	v33 =	vld [tilespmem:s19+$0x180];
	v23 =	vmul.f32 v29, v29;
	v32 =	vadd.f32 v30, v31  }
0x46: {  	vm0 =	vne.s32 @p0 v43, v14;
	v24 =	vadd.f32 v24, v26;
	v20 =	vmax.f32 v20, $9.999999770e-03  }
0x47: {  	vm1 =	vmand @p0 vm4, vm1;
	v23 =	vadd.f32 v23, v32;
	(erf) = vrcp.f32 v20  }
0x48: {  	v39 =	vadd.f32 @p0 v46, v39;
	vm0 =	vmand @p0 vm3, vm0;
	v46 =	vld [tilespmem:s19+$0x280];
	v24 =	vmax.f32 v24, $9.999999770e-03  }
0x49: {  	v29 =	vadd.f32 @p0 $-2.000000000e+00, v44;
	(erf) = vrcp.f32 v24;
	v23 =	vmax.f32 v23, $9.999999770e-03  }
0x4a: {  	v51 =	vpsel p0, v39, v35;
	v34 =	vadd.f32 v33, v28;
	(erf) = vrcp.f32 v23  }
0x4b: {  	v26 =	vadd.f32 @p0 $-2.000000000e+00, v45;
	v25 =	vmul.f32 @p0 v29, v44;
	v30 =	vpsel p1, v42, v36  }
0x4c: {  	v16 =	vadd.f32 v33, v16;
	v19 =	vadd.f32 v33, v19;
	v23 =	vmul.f32 v34, v34  }
0x4d: {  	v21 =	vadd.f32 v33, v21;
	v28 =	vshrl.u32 v46, $0xD;
	v25 =	vmul.f32 @p0 v25, v38;
	v43 =	vpop (erf)  }
0x4e: {  	v20 =	vadd.f32 @p0 $-2.000000000e+00, v47;
	v24 =	vmul.f32 @p0 v26, v45;
	v23 =	vmul.f32 v43, v23  }
0x4f: {  	vm8 =	vne.s32 v28, v17;
	v16 =	vmul.f32 v16, v16;
	v19 =	vmul.f32 v19, v19  }
0x50: {  	vm9 =	vne.s32 v28, v14;
	v20 =	vmul.f32 @p0 v20, v47;
	v44 =	vpop (erf);
	v26 =	vmul.f32 v23, v23  }
0x51: {  	vm10 =	vne.s32 v28, v13;
	v21 =	vmul.f32 v21, v21;
	v16 =	vmul.f32 v44, v16  }
0x52: {  	v25 =	vnsel @p0 vm0, $0x0, v25;
	v20 =	vmul.f32 @p0 v20, v38;
	v45 =	vpop (erf);
	v23 =	vmul.f32 v26, v23  }
0x53: {  	vm0 =	vmand @p0 vm5, vm2;
	v47 =	vld [tilespmem:s19+$0x200];
	v19 =	vmul.f32 v45, v19;
	v48 =	vpop (erf);
	v49 =	vmul.f32 v16, v16  }
0x54: {  	v24 =	vmul.f32 @p0 v24, v38;
	v21 =	vmul.f32 v48, v21;
	v50 =	vadd.f32 $-2.000000000e+00, v23  }
0x55: {  	v20 =	vnsel @p0 vm0, $0x0, v20;
	v52 =	vmul.f32 v19, v19;
	v16 =	vmul.f32 v49, v16  }
0x56: {  	v20 =	vpsel p0, v20, v0;
	v53 =	vmul.f32 v21, v21;
	v23 =	vmul.f32 v50, v23  }
0x57: {  	v55 =	vmul.f32 v52, v19;
	v19 =	vadd.f32 @p0 v20, v30;
	v20 =	vadd.f32 $-2.000000000e+00, v16  }
0x58: {  	vm11 =	vne.s32 v28, v15;
	v56 =	vmul.f32 v53, v21;
	v23 =	vmul.f32 v23, v47  }
0x59: {  	v25 =	vadd.f32 @p0 v25, v40;
	vm0 =	vmand vm7, vm8;
	v58 =	vmul.f32 v20, v16  }
0x5a: {  	v57 =	vadd.f32 $-2.000000000e+00, v56;
	v21 =	vnsel vm0, $0x0, v23;
	v23 =	vadd.f32 $-2.000000000e+00, v55  }
0x5b: {  	vm15 =	vmand vm14, vm11;
	v24 =	vnsel @p0 vm1, $0x0, v24;
	v10 =	vmul.f32 v58, v47  }
0x5c: {  	v22 =	vpsel p0, v25, v22;
	v60 =	vmul.f32 v57, v56;
	v59 =	vmul.f32 v23, v55  }
0x5d: {  	vm1 =	vmand vm13, vm10;
	v24 =	vadd.f32 @p0 v24, v41;
	vm0 =	vmand vm12, vm9  }
0x5e: {  	v10 =	vnsel vm0, $0x0, v10;
	v62 =	vmul.f32 v60, v47;
	v61 =	vmul.f32 v59, v47  }
0x5f: {  	v24 =	vpsel p0, v24, v37;
	v35 =	vadd.f32 v21, v51;
	v22 =	vadd.f32 v10, v22  }
0x60: {  	v10 =	vpsel p0, v19, v36;
	v63 =	vnsel vm15, $0x0, v62;
	v11 =	vnsel vm1, $0x0, v61  }
0x61: {  	v36 =	vadd.f32 v63, v10;
	v37 =	vadd.f32 v11, v24  }
.LBB2_20:
0x62: {  	v2 =	vshrl.u32 v2, $0x12  }
0x63: {  	v4 =	vshrl.u32 v4, $0x12;
	v2 =	vand.u32 $0x3FF0, v2  }
0x64: {  	v6 =	vshrl.u32 v6, $0x12;
	v4 =	vand.u32 $0x3FF0, v4;
	v2 =	vor.u32 v1, v2  }
0x65: {  	v8 =	vshrl.u32 v8, $0x12;
	v6 =	vand.u32 $0x3FF0, v6;
	v4 =	vor.u32 v1, v4  }
0x66: {  	s18 =	sadd.s32 $0x1, s18;
	v8 =	vand.u32 $0x3FF0, v8;
	v6 =	vor.u32 v1, v6  }
0x67: {  	v3 =	vmul.f32 v22, v3;
	p0 =	sne.s32 s18, $0x20;
	v8 =	vor.u32 v1, v8  }
.Ltmp3:
0x68: {  	v5 =	vmul.f32 v37, v5;
	(pc) =	sbr.rel @!p0 .LBB2_21-.Ltmp3, $4  }
0x69: {  	[tilespmem:v2+s14+$0x0] =	vst.idx.add.f32.msk $0xffff, v3;
	v2 =	vmul.f32 v36, v7  }
0x6a: {  	v3 =	vmul.f32 v35, v9;
	[tilespmem:v4+s14+$0x0] =	vst.idx.add.f32.msk $0xffff, v5  }
0x6b: {  	[tilespmem:v6+s14+$0x0] =	vst.idx.add.f32.msk $0xffff, v2  }
0x6c: {  	s17 =	sadd.s32 $0x400, s17;
	s16 =	sadd.s32 $0x80, s16;
	[tilespmem:v8+s14+$0x0] =	vst.idx.add.f32.msk $0xffff, v3  }
.LBB2_2:
0x6d: {  	s20 =	sshll.u32 s18, $0x7  }
0x6e: {  	s19 =	sshll.u32 s18, $0xA;
	s20 =	sor.u32 s5, s20  }
0x6f: {  	s19 =	sand.u32 $0x7FFFFC00, s19;
	v36 =	vmov s20  }
0x70: {  	s19 =	sor.u32 s19, s7;
	v3 =	vshll.u32 v36, $0x3  }
0x71: {  	v2 =	vld [tilespmem:s19+$0x280];
	v4 =	vand.u32 $0x7C, v36;
	v3 =	vand.u32 $0x7FFFFC00, v3  }
0x72: {  	s21 =	sor.u32 $0x3, s20;
	s23 =	sor.u32 $0x1, s20;
	s19 =	sand.u32 $0xFF0, s20;
	v3 =	vor.u32 v4, v3  }
0x73: {  	v37 =	vmov s23;
	s22 =	ssub.s32 s21, s19;
	v4 =	vor.u32 $0x280, v3  }
0x74: {  	v7 =	vshll.u32 v37, $0x3;
	v5 =	vmov s22;
	v6 =	vor.u32 $0x80, v3  }
0x75: {  	v9 =	vand.u32 $0x7D, v37;
	vm0 =	veq.s32 v5, v1;
	v5 =	vor.u32 $0x100, v3  }
0x76: {  	v7 =	vand.u32 $0xFFFFFC00, v7;
	v8 =	vor.u32 $0x180, v3;
	v2 =	vand.u32 $0x1FFF, v2  }
0x77: {  	v7 =	vor.u32 v9, v7;
	v10 =	vnsel vm0, $0x0, v2;
	v25 =	vld.idx.msk [tilespmem:v3+s3+$0x0], $0xffff  }
0x78: {  	(xrf0) =	vadd.scan.msk.s32 $0xffff, v10;
	v2 =	vld.idx.msk [tilespmem:v4+s3+$0x0], $0xffff;
	v4 =	vor.u32 $0x200, v3  }
0x79: {  	s31 =	sor.u32 $0x2, s20;
	v9 =	vor.u32 $0x280, v7;
	v23 =	vld.idx.msk [tilespmem:v6+s3+$0x0], $0xffff  }
0x7a: {  	v38 =	vmov s31;
	v10 =	vor.u32 $0x180, v7;
	v20 =	vld.idx.msk [tilespmem:v5+s3+$0x0], $0xffff  }
0x7b: {  	v11 =	vand.u32 $0x7E, v38;
	v16 =	vld.idx.msk [tilespmem:v8+s3+$0x0], $0xffff;
	v6 =	vor.u32 $0x100, v7;
	v8 =	vshll.u32 v38, $0x3  }
0x7c: {  	v5 =	vor.u32 $0x80, v7;
	v26 =	vld.idx.msk [tilespmem:v7+s3+$0x0], $0xffff;
	v8 =	vand.u32 $0xFFFFFC00, v8  }
0x7d: {  	v8 =	vor.u32 v11, v8;
	v3 =	vld.idx.msk [tilespmem:v4+s3+$0x0], $0xffff  }
0x7e: {  	v4 =	vld.idx.msk [tilespmem:v9+s3+$0x0], $0xffff;
	v9 =	vor.u32 $0x200, v7;
	v11, _, _ =	vpop (xrf0)  }
0x7f: {  	v35 =	vmov s21;
	v19 =	vld.idx.msk [tilespmem:v10+s3+$0x0], $0xffff;
	v7 =	vor.u32 $0x280, v8;
	(v2sf) =	vpush v11, $0xF  }
0x80: {  	v10 =	vor.u32 $0x100, v8;
	v24 =	vld.idx.msk [tilespmem:v6+s3+$0x0], $0xffff;
	v6 =	vshll.u32 v35, $0x3  }
0x81: {  	v12 =	vand.u32 $0x7F, v35;
	v27 =	vld.idx.msk [tilespmem:v5+s3+$0x0], $0xffff;
	v11 =	vor.u32 $0x80, v8;
	v13 =	vand.u32 $0xFFFFFC00, v6  }
0x82: {  	v12 =	vor.u32 v12, v13;
	v31 =	vld.idx.msk [tilespmem:v8+s3+$0x0], $0xffff  }
0x83: {  	v5 =	vld.idx.msk [tilespmem:v9+s3+$0x0], $0xffff;
	v9 =	vor.u32 $0x180, v8  }
0x84: {  	v6 =	vld.idx.msk [tilespmem:v7+s3+$0x0], $0xffff;
	v7 =	vor.u32 $0x200, v8;
	v8 =	vor.u32 $0x280, v12  }
0x85: {  	v17 =	vor.u32 $0x180, v12;
	v29 =	vld.idx.msk [tilespmem:v10+s3+$0x0], $0xffff  }
0x86: {  	s20 =	sand.u32 $0x7FFFF000, s20;
	v10 =	vor.u32 $0x80, v12;
	v30 =	vld.idx.msk [tilespmem:v11+s3+$0x0], $0xffff  }
0x87: {  	s20 =	sor.u32 $0x10, s20;
	v32 =	vld.idx.msk [tilespmem:v12+s3+$0x0], $0xffff  }
0x88: {  	s20 =	sshrl.u32 s20, $0x4;
	v21 =	vld.idx.msk [tilespmem:v9+s3+$0x0], $0xffff;
	v9 =	vor.u32 $0x100, v12  }
0x89: {  	p0 =	sgt.s32 s20, $0x0;
	v18 =	vor.u32 $0x200, v12;
	v8 =	vld.idx.msk [tilespmem:v8+s3+$0x0], $0xffff  }
.Ltmp4:
0x8a: {  	v28 =	vld.idx.msk [tilespmem:v17+s3+$0x0], $0xffff;
	(pc) =	sbr.rel @!p0 .LBB2_3-.Ltmp4, $4  }
0x8b: {  	v33 =	vld.idx.msk [tilespmem:v10+s3+$0x0], $0xffff  }
0x8c: {  	v22 =	vimm.f32 $0.0e+00;
	v14 =	vshrl.u32 v2, $0xD;
	v13 =	vshrl.u32 v4, $0xD;
	v7 =	vld.idx.msk [tilespmem:v7+s3+$0x0], $0xffff  }
0x8d: {  	v10 =	vand.u32 $0x1FFF, v2;
	v12 =	vand.u32 $0x1FFF, v4;
	v15 =	vshrl.u32 v6, $0xD;
	v34 =	vld.idx.msk [tilespmem:v9+s3+$0x0], $0xffff  }
0x8e: {  	v11 =	vand.u32 $0x1FFF, v6;
	v9 =	vld.idx.msk [tilespmem:v18+s3+$0x0], $0xffff;
	v17 =	vshrl.u32 v8, $0xD;
	v18 =	vand.u32 $0x1FFF, v8;
	s21 =	spop (v2sf)  }
0x8f: {  	p1 =	seq.s32 s20, $0x1  }
.Ltmp5:
0x90: {  	_ = 	snop;
	(pc) =	sbr.rel @p1 .LBB2_8-.Ltmp5, $3  }
0x91: {  	_ =	sdelay $0x1  }
0x92: {  	s22 =	sand.u32 $0x70, s16;
	s23 =	sand.u32 $0xFFFFFC00, s17  }
0x93: {  	s25 =	sadd.s32 $0xFFFFFFFF, s20;
	p0 =	por $0x0, $0x0;
	s22 =	sor.u32 s22, s23  }
0x94: {  	v39 =	vld [tilespmem:s22+$0x0]  }
0x95: {  	v40 =	vld [tilespmem:s22+$0x80];
	_ =	sdelay $0x1  }
0x96: {  	v41 =	vld [tilespmem:s22+$0x100];
	_ =	sdelay $0x1  }
0x97: {  	v42 =	vsub.f32 v25, v39  }
0x98: {  	v43 =	vsub.f32 v32, v39;
	v44 =	vsub.f32 v33, v40  }
0x99: {  	v45 =	vsub.f32 v26, v39;
	v46 =	vsub.f32 v23, v40  }
0x9a: {  	v47 =	vsub.f32 v34, v41;
	v48 =	vsub.f32 v27, v40  }
0x9b: {  	v39 =	vsub.f32 v31, v39;
	v43 =	vmul.f32 v43, v43;
	v44 =	vmul.f32 v44, v44  }
0x9c: {  	v40 =	vsub.f32 v30, v40;
	v62 =	vsub.f32 v20, v41  }
0x9d: {  	v49 =	vsub.f32 v24, v41;
	v61 =	vmul.f32 v47, v47;
	v43 =	vadd.f32 v44, v43  }
0x9e: {  	v41 =	vsub.f32 v29, v41;
	v42 =	vmul.f32 v42, v42;
	v46 =	vmul.f32 v46, v46  }
0x9f: {  	v45 =	vmul.f32 v45, v45;
	v48 =	vmul.f32 v48, v48;
	v43 =	vadd.f32 v61, v43  }
0xa0: {  	v39 =	vmul.f32 v39, v39;
	v63 =	vmul.f32 v62, v62;
	v42 =	vadd.f32 v46, v42  }
0xa1: {  	v40 =	vmul.f32 v40, v40;
	v49 =	vmul.f32 v49, v49;
	v43 =	vmax.f32 v43, $9.999999770e-03  }
0xa2: {  	v45 =	vadd.f32 v48, v45;
	v42 =	vadd.f32 v63, v42;
	(erf) = vrcp.f32 v43  }
0xa3: {  	v50 =	vld [tilespmem:s22+$0x180];
	v41 =	vmul.f32 v41, v41;
	v39 =	vadd.f32 v40, v39  }
0xa4: {  	v51 =	vadd.f32 v49, v45;
	v42 =	vmax.f32 v42, $9.999999770e-03  }
0xa5: {  	v39 =	vadd.f32 v41, v39;
	(erf) = vrcp.f32 v42  }
0xa6: {  	v52 =	vmax.f32 v51, $9.999999770e-03  }
0xa7: {  	v39 =	vmax.f32 v39, $9.999999770e-03;
	(erf) = vrcp.f32 v52  }
0xa8: {  	v53 =	vadd.f32 v50, v28;
	(erf) = vrcp.f32 v39;
	_ =	sdelay $0x1  }
0xa9: {  	v54 =	vmul.f32 v53, v53  }
0xaa: {  	v60 =	vld [tilespmem:s22+$0x280];
	v55 =	vadd.f32 v50, v16;
	v56 =	vpop (erf)  }
0xab: {  	v39 =	vmul.f32 v56, v54  }
0xac: {  	v57 =	vadd.f32 v50, v19;
	v41 =	vmul.f32 v55, v55  }
0xad: {  	v40 =	vadd.f32 v50, v21;
	v59 =	vpop (erf);
	v58 =	vmul.f32 v39, v39  }
0xae: {  	p1 =	seq.s32 s25, $0x1;
	v42 =	vmul.f32 v57, v57;
	v41 =	vmul.f32 v59, v41  }
.Ltmp6:
0xaf: {  	v40 =	vmul.f32 v40, v40;
	v45 =	vshrl.u32 v60, $0xD;
	v61 =	vpop (erf);
	v39 =	vmul.f32 v58, v39;
	(pc) =	sbr.rel @p1 .LBB2_10-.Ltmp6, $4  }
0xb0: {  	v43 =	vor.u32 s16, v1;
	v48 =	vmul.f32 v61, v42;
	v62 =	vpop (erf);
	v42 =	vld [tilespmem:s22+$0x200];
	v44 =	vmul.f32 v41, v41  }
0xb1: {  	s24 =	sadd.s32 $0x80, s17;
	s23 =	sadd.s32 $0x10, s16;
	v47 =	vmul.f32 v62, v40;
	v40 =	vimm.f32 $0.0e+00;
	v63 =	vadd.f32 $-2.000000000e+00, v39  }
0xb2: {  	s25 =	sadd.s32 $0xFFFFFFFF, s25;
	s31 =	sand.u32 $0x70, s23;
	s26 =	sand.u32 $0xFFFFFC00, s24;
	v49 =	vmul.f32 v48, v48;
	v46 =	vmul.f32 v44, v41;
	v44 =	vimm.f32 $0.0e+00  }
0xb3: {  	p0 =	por $0x1, $0x1;
	s22 =	sor.u32 s31, s26;
	s26 =	smov.u32 s23;
	v41 =	vimm.f32 $0.0e+00;
	v50 =	vmul.f32 v63, v39;
	v39 =	vimm.f32 $0.0e+00  }
.LBB2_11:
0xb4: {  	p1 =	seq.s32 s25, $0x1;
	v51 =	vld [tilespmem:s22+$0x0];
	v52 =	vmul.f32 v47, v47;
	vm0 =	vlt.s32 v43, v18;
	vm1 =	vne.s32 v45, v17  }
0xb5: {  	v53 =	vld [tilespmem:s22+$0x80];
	v50 =	vmul.f32 v50, v42;
	vm0 =	vmand vm0, vm1;
	vm1 =	vgt.s32 v43, v35  }
0xb6: {  	v48 =	vmul.f32 v49, v48;
	v47 =	vmul.f32 v52, v47;
	vm0 =	vmand vm1, vm0  }
0xb7: {  	v52 =	vadd.f32 $-2.000000000e+00, v46;
	vm1 =	vne.s32 v45, v14;
	v49 =	vld [tilespmem:s22+$0x100];
	v50 =	vnsel vm0, $0x0, v50  }
0xb8: {  	v54 =	vadd.f32 $-2.000000000e+00, v48;
	vm0 =	vne.s32 v45, v13;
	v44 =	vadd.f32 v50, v44  }
0xb9: {  	v46 =	vmul.f32 v52, v46;
	v50 =	vsub.f32 v25, v51;
	v55 =	vsub.f32 v26, v51  }
0xba: {  	v48 =	vmul.f32 v54, v48;
	v52 =	vsub.f32 v32, v51;
	v56 =	vsub.f32 v33, v53  }
0xbb: {  	v54 =	vsub.f32 v23, v53;
	v57 =	vsub.f32 v27, v53;
	v50 =	vmul.f32 v50, v50  }
0xbc: {  	v52 =	vmul.f32 v52, v52;
	v58 =	vsub.f32 v34, v49;
	v56 =	vmul.f32 v56, v56  }
0xbd: {  	v51 =	vsub.f32 v31, v51;
	v53 =	vsub.f32 v30, v53;
	v54 =	vmul.f32 v54, v54  }
0xbe: {  	v55 =	vmul.f32 v55, v55;
	v52 =	vadd.f32 v56, v52;
	v56 =	vmul.f32 v58, v58  }
0xbf: {  	v51 =	vmul.f32 v51, v51;
	v57 =	vmul.f32 v57, v57;
	v58 =	vsub.f32 v20, v49  }
0xc0: {  	v59 =	vsub.f32 v24, v49;
	v53 =	vmul.f32 v53, v53;
	v52 =	vadd.f32 v56, v52  }
0xc1: {  	v50 =	vadd.f32 v54, v50;
	v49 =	vsub.f32 v29, v49;
	v54 =	vmul.f32 v58, v58  }
0xc2: {  	v55 =	vadd.f32 v57, v55;
	v51 =	vadd.f32 v53, v51;
	v52 =	vmax.f32 v52, $9.999999770e-03  }
0xc3: {  	v53 =	vmul.f32 v59, v59;
	v50 =	vadd.f32 v54, v50;
	(erf) = vrcp.f32 v52  }
0xc4: {  	vm2 =	vne.s32 v45, v15;
	v49 =	vmul.f32 v49, v49;
	v54 =	vadd.f32 $-2.000000000e+00, v47;
	v52 =	vld [tilespmem:s22+$0x180]  }
0xc5: {  	vm3 =	vlt.s32 v43, v10;
	v45 =	vmax.f32 v50, $9.999999770e-03;
	v50 =	vadd.f32 v53, v55  }
0xc6: {  	v49 =	vadd.f32 v49, v51;
	(erf) = vrcp.f32 v45;
	v45 =	vmul.f32 v54, v47  }
0xc7: {  	vm4 =	vlt.s32 v43, v12;
	vm5 =	vlt.s32 v43, v11;
	v47 =	vmax.f32 v50, $9.999999770e-03  }
0xc8: {  	v46 =	vmul.f32 v46, v42;
	v49 =	vmax.f32 v49, $9.999999770e-03;
	(erf) = vrcp.f32 v47  }
0xc9: {  	v47 =	vadd.f32 v52, v16;
	v50 =	vadd.f32 v52, v28;
	(erf) = vrcp.f32 v49  }
0xca: {  	v48 =	vmul.f32 v48, v42;
	v49 =	vadd.f32 v52, v19;
	v51 =	vadd.f32 v52, v21  }
0xcb: {  	vm1 =	vmand vm3, vm1;
	v47 =	vmul.f32 v47, v47;
	v50 =	vmul.f32 v50, v50  }
0xcc: {  	vm0 =	vmand vm4, vm0;
	v49 =	vmul.f32 v49, v49;
	v51 =	vmul.f32 v51, v51;
	v52 =	vpop (erf)  }
0xcd: {  	vm2 =	vmand vm5, vm2;
	v42 =	vmul.f32 v45, v42;
	v50 =	vmul.f32 v52, v50  }
0xce: {  	vm5 =	vgt.s32 v43, v38;
	vm3 =	vgt.s32 v43, v36;
	vm4 =	vgt.s32 v43, v37  }
0xcf: {  	vm1 =	vmand vm3, vm1;
	vm0 =	vmand vm4, vm0;
	v53 =	vmul.f32 v50, v50;
	v45 =	vpop (erf)  }
0xd0: {  	v46 =	vnsel vm1, $0x0, v46;
	vm1 =	vmand vm5, vm2;
	v52 =	vld [tilespmem:s22+$0x280];
	v45 =	vmul.f32 v45, v47  }
.Ltmp7:
0xd1: {  	v54 =	vnsel vm1, $0x0, v42;
	v50 =	vmul.f32 v53, v50;
	v43 =	vpop (erf);
	v53 =	vnsel vm0, $0x0, v48;
	(pc) =	sbr.rel @!p1 .LBB2_11-.Ltmp7, $4  }
0xd2: {  	v39 =	vadd.f32 v46, v39;
	v42 =	vld [tilespmem:s22+$0x200];
	v55 =	vmul.f32 v45, v45;
	v48 =	vmul.f32 v43, v49;
	v43 =	vpop (erf)  }
0xd3: {  	s24 =	sadd.s32 $0x80, s24;
	s26 =	sadd.s32 $0x10, s26;
	v41 =	vadd.f32 v53, v41;
	v47 =	vmul.f32 v43, v51;
	v51 =	vadd.f32 $-2.000000000e+00, v50  }
0xd4: {  	s28 =	sand.u32 $0xFFFFFC00, s24;
	v40 =	vadd.f32 v54, v40;
	s22 =	sand.u32 $0x70, s26;
	v46 =	vmul.f32 v55, v45;
	v49 =	vmul.f32 v48, v48  }
0xd5: {  	s25 =	sadd.s32 $0xFFFFFFFF, s25;
	s22 =	sor.u32 s22, s28;
	v43 =	vor.u32 s23, v1;
	s23 =	smov.u32 s26;
	v45 =	vshrl.u32 v52, $0xD;
	v50 =	vmul.f32 v51, v50  }
.LBB2_12:
0xd6: {  	vm0 =	vlt.s32 @p0 v43, v18  }
0xd7: {  	vm1 =	vne.s32 @p0 v45, v17;
	v53 =	vmul.f32 @p0 v47, v47;
	v48 =	vmul.f32 @p0 v49, v48  }
0xd8: {  	v54 =	vadd.f32 @p0 $-2.000000000e+00, v46;
	vm2 =	vne.s32 @p0 v45, v15;
	vm3 =	vlt.s32 @p0 v43, v10  }
0xd9: {  	vm4 =	vlt.s32 @p0 v43, v12;
	vm5 =	vlt.s32 @p0 v43, v11;
	v50 =	vmul.f32 @p0 v50, v42  }
0xda: {  	v51 =	vld [tilespmem:s22+$0x0];
	vm0 =	vmand @p0 vm0, vm1;
	vm1 =	vgt.s32 @p0 v43, v35;
	vm2 =	vmand @p0 vm5, vm2  }
0xdb: {  	v52 =	vld [tilespmem:s22+$0x80];
	vm5 =	vgt.s32 @p0 v43, v38;
	vm0 =	vmand @p0 vm1, vm0;
	v47 =	vmul.f32 @p0 v53, v47  }
0xdc: {  	v49 =	vld [tilespmem:s22+$0x100];
	v53 =	vadd.f32 @p0 $-2.000000000e+00, v48;
	vm1 =	vne.s32 @p0 v45, v14;
	v46 =	vmul.f32 @p0 v54, v46  }
0xdd: {  	v50 =	vnsel @p0 vm0, $0x0, v50;
	vm0 =	vne.s32 @p0 v45, v13;
	vm1 =	vmand @p0 vm3, vm1  }
0xde: {  	v44 =	vadd.f32 @p0 v50, v44;
	v48 =	vmul.f32 @p0 v53, v48;
	v53 =	vadd.f32 @p0 $-2.000000000e+00, v47  }
0xdf: {  	vm3 =	vgt.s32 @p0 v43, v36;
	v60 =	vsub.f32 v25, v51;
	v55 =	vsub.f32 v26, v51  }
0xe0: {  	vm0 =	vmand @p0 vm4, vm0;
	v56 =	vsub.f32 v32, v51;
	v57 =	vsub.f32 v33, v52  }
0xe1: {  	vm4 =	vgt.s32 @p0 v43, v37;
	v61 =	vsub.f32 v23, v52;
	v58 =	vsub.f32 v34, v49  }
0xe2: {  	v59 =	vsub.f32 v27, v52;
	v50 =	vmul.f32 v60, v60;
	v56 =	vmul.f32 v56, v56  }
0xe3: {  	v51 =	vsub.f32 v31, v51;
	v57 =	vmul.f32 v57, v57;
	v54 =	vmul.f32 v61, v61  }
0xe4: {  	v52 =	vsub.f32 v30, v52;
	v62 =	vmul.f32 v58, v58;
	v55 =	vmul.f32 v55, v55  }
0xe5: {  	v63 =	vsub.f32 v20, v49;
	v59 =	vmul.f32 v59, v59;
	v51 =	vmul.f32 v51, v51  }
0xe6: {  	v60 =	vsub.f32 v24, v49;
	v52 =	vmul.f32 v52, v52;
	v56 =	vadd.f32 v57, v56  }
0xe7: {  	v61 =	vmul.f32 v63, v63;
	v49 =	vsub.f32 v29, v49;
	v50 =	vadd.f32 v54, v50  }
0xe8: {  	v55 =	vadd.f32 v59, v55;
	v56 =	vadd.f32 v62, v56;
	v62 =	vmul.f32 v60, v60  }
0xe9: {  	v63 =	vld [tilespmem:s22+$0x180];
	v51 =	vadd.f32 v52, v51;
	v49 =	vmul.f32 v49, v49;
	v50 =	vadd.f32 v61, v50  }
0xea: {  	vm1 =	vmand @p0 vm3, vm1;
	v56 =	vmax.f32 v56, $9.999999770e-03;
	v54 =	vadd.f32 v62, v55  }
0xeb: {  	v57 =	vadd.f32 v49, v51;
	v50 =	vmax.f32 v50, $9.999999770e-03;
	(erf) = vrcp.f32 v56  }
0xec: {  	v48 =	vmul.f32 @p0 v48, v42;
	(erf) = vrcp.f32 v50;
	v58 =	vmax.f32 v54, $9.999999770e-03  }
0xed: {  	vm0 =	vmand @p0 vm4, vm0;
	v45 =	vmax.f32 v57, $9.999999770e-03;
	(erf) = vrcp.f32 v58  }
0xee: {  	v48 =	vnsel @p0 vm0, $0x0, v48;
	v59 =	vadd.f32 v63, v28;
	v57 =	vld [tilespmem:s22+$0x280];
	(erf) = vrcp.f32 v45  }
0xef: {  	v47 =	vmul.f32 @p0 v53, v47;
	v41 =	vadd.f32 @p0 v48, v41;
	v61 =	vadd.f32 v63, v19  }
0xf0: {  	v60 =	vadd.f32 v63, v16;
	v62 =	vadd.f32 v63, v21;
	v49 =	vmul.f32 v59, v59  }
0xf1: {  	v44 =	vpsel p0, v44, v22;
	v50 =	vmul.f32 v61, v61;
	v45 =	vmul.f32 @p0 v46, v42  }
0xf2: {  	v41 =	vpsel p0, v41, v22;
	v51 =	vmul.f32 v62, v62;
	v46 =	vmul.f32 v60, v60  }
0xf3: {  	v42 =	vmul.f32 @p0 v47, v42;
	v47 =	vshrl.u32 v57, $0xD;
	v45 =	vnsel @p0 vm1, $0x0, v45  }
0xf4: {  	vm1 =	vmand @p0 vm5, vm2;
	vm12 =	vne.s32 v47, v17;
	vm14 =	vne.s32 v47, v14;
	v63 =	vpop (erf)  }
0xf5: {  	v42 =	vnsel @p0 vm1, $0x0, v42;
	v39 =	vadd.f32 @p0 v45, v39;
	v49 =	vmul.f32 v63, v49;
	v56 =	vpop (erf)  }
0xf6: {  	vm15 =	vne.s32 v47, v13;
	v40 =	vadd.f32 @p0 v42, v40;
	v46 =	vmul.f32 v56, v46;
	v58 =	vpop (erf)  }
0xf7: {  	vm8 =	vne.s32 v47, v15;
	v39 =	vpsel p0, v39, v22;
	v55 =	vmul.f32 v49, v49;
	v60 =	vpop (erf)  }
0xf8: {  	v40 =	vpsel p0, v40, v22;
	v59 =	vmul.f32 v46, v46;
	v61 =	vmul.f32 v60, v51  }
0xf9: {  	v43 =	vmul.f32 v55, v49;
	v49 =	vmul.f32 v58, v50;
	v55 =	vor.u32 s23, v1  }
0xfa: {  	v46 =	vmul.f32 v59, v46;
	v22 =	vmul.f32 v61, v61;
	vm11 =	vlt.s32 v55, v18  }
0xfb: {  	vm13 =	vgt.s32 v55, v35;
	vm9 =	vlt.s32 v55, v10;
	vm10 =	vlt.s32 v55, v12  }
0xfc: {  	v63 =	vld [tilespmem:s22+$0x200];
	v62 =	vadd.f32 $-2.000000000e+00, v43;
	v54 =	vmul.f32 v49, v49;
	vm0 =	vmand vm11, vm12  }
0xfd: {  	vm11 =	vlt.s32 v55, v11;
	vm1 =	vmand vm9, vm14;
	vm12 =	vgt.s32 v55, v36  }
0xfe: {  	vm14 =	vgt.s32 v55, v38;
	v22 =	vmul.f32 v22, v61;
	v49 =	vmul.f32 v54, v49  }
0xff: {  	vm0 =	vmand vm13, vm0;
	v57 =	vadd.f32 $-2.000000000e+00, v46;
	v43 =	vmul.f32 v62, v43  }
0x100: {  	vm2 =	vmand vm11, vm8;
	v59 =	vadd.f32 $-2.000000000e+00, v22;
	v58 =	vadd.f32 $-2.000000000e+00, v49  }
0x101: {  	vm13 =	vgt.s32 v55, v37;
	v56 =	vmul.f32 v43, v63;
	v43 =	vmul.f32 v57, v46  }
0x102: {  	vm1 =	vmand vm12, vm1;
	v22 =	vmul.f32 v59, v22;
	v60 =	vmul.f32 v58, v49  }
0x103: {  	v35 =	vnsel vm0, $0x0, v56;
	v43 =	vmul.f32 v43, v63;
	vm0 =	vmand vm10, vm15  }
.Ltmp8:
0x104: {  	v35 =	vadd.f32 v35, v44;
	v22 =	vmul.f32 v22, v63;
	v44 =	vmul.f32 v60, v63;
	(pc) =	sbr.rel .LBB2_4-.Ltmp8, $3  }
0x105: {  	vm15 =	vmand vm14, vm2;
	vm0 =	vmand vm13, vm0;
	v61 =	vnsel vm1, $0x0, v43  }
0x106: {  	v63 =	vnsel vm15, $0x0, v22;
	v22 =	vadd.f32 v61, v39;
	v62 =	vnsel vm0, $0x0, v44  }
0x107: {  	v36 =	vadd.f32 v63, v40;
	v37 =	vadd.f32 v62, v41;
	_ =	sdelay $0x1  }
.LBB2_3:
0x108: {  	v37 =	vimm.f32 $0.0e+00;
	v36 =	vimm.f32 $0.0e+00;
	v35 =	vimm.f32 $0.0e+00  }
.LBB2_4:
0x109: {  	s19 =	ssub.s32 s21, s19  }
0x10a: {  	s19 =	sadd.s32 $0xF, s19  }
0x10b: {  	s19 =	sshra.s32 s19, $0x4  }
0x10c: {  	p0 =	sle.s32 s19, s20  }
.Ltmp9:
0x10d: {  	_ = 	snop;
	(pc) =	sbr.rel @p0 .LBB2_20-.Ltmp9, $1  }
0x10e: {  	_ =	sdelay $0x3  }
0x10f: {  	s22 =	ssub.s32 s19, s20  }
0x110: {  	p2 =	sne.s32 s22, $0x1  }
.Ltmp10:
0x111: {  	_ = 	snop;
	(pc) =	sbr.rel @!p2 .LBB2_6-.Ltmp10, $4  }
0x112: {  	s21 =	sshll.u32 s20, $0x7;
	s23 =	sshll.u32 s20, $0x4  }
0x113: {  	s21 =	sadd.s32 s21, s17;
	s20 =	sadd.s32 s23, s16  }
0x114: {  	p0 =	por $0x0, $0x0;
	s30 =	sand.u32 $0x70, s20;
	s31 =	sand.u32 $0xFFFFFC00, s21  }
0x115: {  	p1 =	por $0x0, $0x0;
	s23 =	sadd.s32 $0xFFFFFFFF, s22;
	s19 =	sor.u32 s30, s31  }
0x116: {  	v38 =	vld [tilespmem:s19+$0x0]  }
0x117: {  	v39 =	vld [tilespmem:s19+$0x80]  }
0x118: {  	v40 =	vld [tilespmem:s19+$0x100];
	_ =	sdelay $0x2  }
0x119: {  	v41 =	vsub.f32 v25, v38  }
0x11a: {  	v42 =	vsub.f32 v32, v38;
	v43 =	vsub.f32 v33, v39  }
0x11b: {  	v44 =	vsub.f32 v23, v39;
	v45 =	vsub.f32 v34, v40  }
0x11c: {  	v46 =	vsub.f32 v26, v38;
	v42 =	vmul.f32 v42, v42;
	v43 =	vmul.f32 v43, v43  }
0x11d: {  	v47 =	vsub.f32 v27, v39;
	v38 =	vsub.f32 v31, v38  }
0x11e: {  	v39 =	vsub.f32 v30, v39;
	v63 =	vmul.f32 v45, v45;
	v42 =	vadd.f32 v43, v42  }
0x11f: {  	v48 =	vsub.f32 v20, v40;
	v50 =	vsub.f32 v24, v40  }
0x120: {  	v41 =	vmul.f32 v41, v41;
	v44 =	vmul.f32 v44, v44;
	v42 =	vadd.f32 v63, v42  }
0x121: {  	v40 =	vsub.f32 v29, v40;
	v46 =	vmul.f32 v46, v46;
	v47 =	vmul.f32 v47, v47  }
0x122: {  	v38 =	vmul.f32 v38, v38;
	v39 =	vmul.f32 v39, v39;
	v42 =	vmax.f32 v42, $9.999999770e-03  }
0x123: {  	v49 =	vmul.f32 v48, v48;
	v41 =	vadd.f32 v44, v41;
	(erf) = vrcp.f32 v42  }
0x124: {  	v52 =	vld [tilespmem:s19+$0x180];
	v45 =	vmul.f32 v50, v50;
	v51 =	vadd.f32 v47, v46  }
0x125: {  	v40 =	vmul.f32 v40, v40;
	v38 =	vadd.f32 v39, v38;
	v41 =	vadd.f32 v49, v41  }
0x126: {  	v53 =	vadd.f32 v45, v51  }
0x127: {  	v38 =	vadd.f32 v40, v38;
	v41 =	vmax.f32 v41, $9.999999770e-03  }
0x128: {  	v54 =	vmax.f32 v53, $9.999999770e-03;
	(erf) = vrcp.f32 v41  }
0x129: {  	v55 =	vadd.f32 v52, v28;
	v38 =	vmax.f32 v38, $9.999999770e-03;
	(erf) = vrcp.f32 v54  }
0x12a: {  	(erf) = vrcp.f32 v38  }
0x12b: {  	v56 =	vmul.f32 v55, v55  }
0x12c: {  	v57 =	vpop (erf)  }
0x12d: {  	v38 =	vmul.f32 v57, v56  }
0x12e: {  	v58 =	vadd.f32 v52, v16  }
0x12f: {  	p2 =	sne.s32 s23, $0x1;
	v59 =	vadd.f32 v52, v19;
	v60 =	vmul.f32 v38, v38  }
.Ltmp11:
0x130: {  	v39 =	vadd.f32 v52, v21;
	v41 =	vmul.f32 v58, v58;
	(pc) =	sbr.rel @!p2 .LBB2_14-.Ltmp11, $4  }
0x131: {  	v40 =	vmul.f32 v59, v59;
	v61 =	vpop (erf);
	v46 =	vmul.f32 v60, v38  }
0x132: {  	s22 =	sadd.s32 $0x80, s21;
	s21 =	sadd.s32 $0x10, s20;
	v43 =	vld [tilespmem:s19+$0x280];
	v39 =	vmul.f32 v39, v39;
	v44 =	vmul.f32 v61, v41;
	v62 =	vpop (erf)  }
0x133: {  	s24 =	sand.u32 $0x70, s21;
	s25 =	sand.u32 $0xFFFFFC00, s22;
	v45 =	vmul.f32 v62, v40;
	v63 =	vpop (erf);
	v50 =	vadd.f32 $-2.000000000e+00, v46  }
0x134: {  	s23 =	sadd.s32 $0xFFFFFFFF, s23;
	p0 =	por $0x1, $0x1;
	v49 =	vmul.f32 v44, v44;
	v47 =	vmul.f32 v63, v39;
	v38 =	vld [tilespmem:s19+$0x200];
	s19 =	sor.u32 s24, s25  }
0x135: {  	v40 =	vld [tilespmem:s19+$0x0]  }
0x136: {  	v41 =	vld [tilespmem:s19+$0x80]  }
0x137: {  	v39 =	vmul.f32 v45, v45;
	v46 =	vmul.f32 v50, v46;
	v48 =	vor.u32 s20, v1  }
0x138: {  	v42 =	vmul.f32 v47, v47;
	v44 =	vmul.f32 v49, v44;
	v49 =	vld [tilespmem:s19+$0x100];
	vm0 =	vlt.s32 v48, v18  }
0x139: {  	vm3 =	vlt.s32 v48, v10;
	v43 =	vshrl.u32 v43, $0xD;
	v45 =	vmul.f32 v39, v45  }
0x13a: {  	vm1 =	vne.s32 v43, v17;
	v46 =	vmul.f32 v46, v38;
	v62 =	vsub.f32 v25, v40  }
0x13b: {  	vm0 =	vmand vm0, vm1;
	v63 =	vsub.f32 v32, v40;
	v57 =	vsub.f32 v33, v41  }
0x13c: {  	v51 =	vsub.f32 v23, v41;
	v52 =	vsub.f32 v26, v40;
	v56 =	vnsel vm0, $0x0, v46  }
0x13d: {  	v53 =	vsub.f32 v34, v49;
	v50 =	vmul.f32 v63, v63;
	v46 =	vmul.f32 v57, v57  }
0x13e: {  	v42 =	vmul.f32 v42, v47;
	v54 =	vsub.f32 v27, v41;
	v40 =	vsub.f32 v31, v40  }
0x13f: {  	v41 =	vsub.f32 v30, v41;
	v58 =	vmul.f32 v53, v53;
	v46 =	vadd.f32 v46, v50  }
0x140: {  	v59 =	vsub.f32 v20, v49;
	v61 =	vsub.f32 v24, v49;
	v47 =	vmul.f32 v62, v62  }
0x141: {  	v51 =	vmul.f32 v51, v51;
	v52 =	vmul.f32 v52, v52;
	v46 =	vadd.f32 v58, v46  }
0x142: {  	v49 =	vsub.f32 v29, v49;
	v54 =	vmul.f32 v54, v54;
	v40 =	vmul.f32 v40, v40  }
0x143: {  	v60 =	vmul.f32 v59, v59;
	v47 =	vadd.f32 v51, v47;
	v46 =	vmax.f32 v46, $9.999999770e-03  }
0x144: {  	v39 =	vadd.f32 v56, v35;
	v41 =	vmul.f32 v41, v41;
	(erf) = vrcp.f32 v46  }
0x145: {  	v55 =	vld [tilespmem:s19+$0x180];
	v63 =	vmul.f32 v61, v61;
	v62 =	vadd.f32 v54, v52;
	v56 =	vadd.f32 v60, v47  }
0x146: {  	vm4 =	vlt.s32 v48, v12;
	v57 =	vmul.f32 v49, v49;
	v40 =	vadd.f32 v41, v40  }
0x147: {  	vm5 =	vlt.s32 v48, v11;
	v59 =	vadd.f32 v63, v62;
	v46 =	vmax.f32 v56, $9.999999770e-03  }
0x148: {  	vm13 =	vne.s32 v43, v14;
	v40 =	vadd.f32 v57, v40;
	(erf) = vrcp.f32 v46  }
0x149: {  	vm14 =	vne.s32 v43, v13;
	v61 =	vadd.f32 $-2.000000000e+00, v42;
	v50 =	vmax.f32 v59, $9.999999770e-03  }
0x14a: {  	v63 =	vadd.f32 v55, v28;
	v40 =	vmax.f32 v40, $9.999999770e-03;
	(erf) = vrcp.f32 v50  }
0x14b: {  	v41 =	vadd.f32 v55, v21;
	v42 =	vmul.f32 v61, v42;
	(erf) = vrcp.f32 v40  }
0x14c: {  	v58 =	vadd.f32 $-2.000000000e+00, v44;
	v60 =	vadd.f32 $-2.000000000e+00, v45;
	v52 =	vmul.f32 v63, v63  }
0x14d: {  	v62 =	vadd.f32 v55, v16;
	v53 =	vmul.f32 v41, v41;
	v57 =	vmul.f32 v42, v38;
	v54 =	vpop (erf)  }
0x14e: {  	vm2 =	vne.s32 v43, v15;
	v44 =	vmul.f32 v58, v44;
	v41 =	vmul.f32 v54, v52  }
0x14f: {  	v51 =	vadd.f32 v55, v19;
	v45 =	vmul.f32 v60, v45;
	v46 =	vmul.f32 v62, v62  }
0x150: {  	p2 =	sne.s32 s23, $0x1;
	vm1 =	vmand vm4, vm14;
	v55 =	vmul.f32 v44, v38;
	v58 =	vmul.f32 v41, v41  }
.Ltmp12:
0x151: {  	vm15 =	vmand vm5, vm2;
	v56 =	vmul.f32 v45, v38;
	v40 =	vmul.f32 v51, v51;
	v59 =	vpop (erf);
	(pc) =	sbr.rel @!p2 .LBB2_16-.Ltmp12, $4  }
0x152: {  	vm0 =	vmand vm3, vm13;
	v44 =	vmul.f32 v59, v46;
	v46 =	vmul.f32 v58, v41  }
0x153: {  	s22 =	sadd.s32 $0x80, s22;
	s20 =	sadd.s32 $0x10, s21;
	v43 =	vld [tilespmem:s19+$0x280];
	v48 =	vnsel vm15, $0x0, v57;
	v60 =	vnsel vm0, $0x0, v55;
	v61 =	vnsel vm1, $0x0, v56;
	v62 =	vpop (erf)  }
0x154: {  	s24 =	sand.u32 $0x70, s20;
	s25 =	sand.u32 $0xFFFFFC00, s22;
	v38 =	vld [tilespmem:s19+$0x200];
	v45 =	vmul.f32 v62, v40;
	v63 =	vpop (erf);
	v40 =	vadd.f32 v60, v22;
	v50 =	vadd.f32 $-2.000000000e+00, v46  }
0x155: {  	s23 =	sadd.s32 $0xFFFFFFFF, s23;
	p1 =	por $0x1, $0x1;
	v42 =	vmovc v36;
	s19 =	sor.u32 s24, s25;
	v49 =	vmul.f32 v44, v44;
	v47 =	vmul.f32 v63, v53;
	v41 =	vadd.f32 v61, v37  }
.LBB2_17:
0x156: {  	p2 =	sne.s32 s23, $0x1;
	v51 =	vld [tilespmem:s19+$0x0];
	v52 =	vmul.f32 v45, v45;
	v42 =	vadd.f32 v48, v42  }
0x157: {  	v48 =	vld [tilespmem:s19+$0x80];
	v53 =	vmul.f32 v47, v47;
	v46 =	vmul.f32 v50, v46  }
0x158: {  	v50 =	vor.u32 s21, v1;
	v44 =	vmul.f32 v49, v44;
	s21 =	smov.u32 s20;
	v43 =	vshrl.u32 v43, $0xD  }
0x159: {  	vm0 =	vlt.s32 v50, v18;
	v49 =	vld [tilespmem:s19+$0x100];
	v46 =	vmul.f32 v46, v38;
	vm1 =	vne.s32 v43, v17  }
0x15a: {  	v45 =	vmul.f32 v52, v45;
	v47 =	vmul.f32 v53, v47;
	vm0 =	vmand vm0, vm1  }
0x15b: {  	v52 =	vsub.f32 v25, v51;
	v53 =	vsub.f32 v32, v51;
	v46 =	vnsel vm0, $0x0, v46  }
0x15c: {  	vm0 =	vne.s32 v43, v14;
	v54 =	vsub.f32 v33, v48;
	v39 =	vadd.f32 v46, v39  }
0x15d: {  	v55 =	vsub.f32 v26, v51;
	v46 =	vsub.f32 v23, v48;
	v52 =	vmul.f32 v52, v52  }
0x15e: {  	v53 =	vmul.f32 v53, v53;
	v56 =	vsub.f32 v34, v49;
	v54 =	vmul.f32 v54, v54  }
0x15f: {  	v51 =	vsub.f32 v31, v51;
	v57 =	vsub.f32 v27, v48;
	v46 =	vmul.f32 v46, v46  }
0x160: {  	v48 =	vsub.f32 v30, v48;
	v53 =	vadd.f32 v54, v53;
	v54 =	vmul.f32 v56, v56  }
0x161: {  	v55 =	vmul.f32 v55, v55;
	v57 =	vmul.f32 v57, v57;
	v56 =	vsub.f32 v20, v49  }
0x162: {  	v51 =	vmul.f32 v51, v51;
	v48 =	vmul.f32 v48, v48;
	v53 =	vadd.f32 v54, v53  }
0x163: {  	v54 =	vmul.f32 v56, v56;
	v56 =	vsub.f32 v24, v49;
	v49 =	vsub.f32 v29, v49  }
0x164: {  	v46 =	vadd.f32 v46, v52;
	v52 =	vadd.f32 v57, v55;
	v53 =	vmax.f32 v53, $9.999999770e-03  }
0x165: {  	v48 =	vadd.f32 v48, v51;
	v55 =	vmul.f32 v56, v56;
	(erf) = vrcp.f32 v53  }
0x166: {  	v46 =	vadd.f32 v54, v46;
	v49 =	vmul.f32 v49, v49;
	v53 =	vadd.f32 $-2.000000000e+00, v44;
	v51 =	vld [tilespmem:s19+$0x180]  }
0x167: {  	vm1 =	vne.s32 v43, v13;
	v54 =	vadd.f32 $-2.000000000e+00, v45;
	v52 =	vadd.f32 v55, v52  }
0x168: {  	v46 =	vmax.f32 v46, $9.999999770e-03;
	v48 =	vadd.f32 v49, v48;
	v49 =	vadd.f32 $-2.000000000e+00, v47  }
0x169: {  	v44 =	vmul.f32 v53, v44;
	v52 =	vmax.f32 v52, $9.999999770e-03;
	(erf) = vrcp.f32 v46  }
0x16a: {  	v45 =	vmul.f32 v54, v45;
	v46 =	vmax.f32 v48, $9.999999770e-03;
	(erf) = vrcp.f32 v52  }
0x16b: {  	v48 =	vadd.f32 v51, v16;
	v52 =	vadd.f32 v51, v28;
	(erf) = vrcp.f32 v46  }
0x16c: {  	v47 =	vmul.f32 v49, v47;
	v46 =	vadd.f32 v51, v19;
	v51 =	vadd.f32 v51, v21  }
0x16d: {  	vm2 =	vne.s32 v43, v15;
	v48 =	vmul.f32 v48, v48;
	v49 =	vmul.f32 v52, v52  }
0x16e: {  	vm3 =	vlt.s32 v50, v10;
	v52 =	vmul.f32 v46, v46;
	v51 =	vmul.f32 v51, v51;
	v43 =	vpop (erf)  }
0x16f: {  	vm4 =	vlt.s32 v50, v12;
	v46 =	vmul.f32 v43, v49;
	v43 =	vmul.f32 v44, v38  }
0x170: {  	vm5 =	vlt.s32 v50, v11;
	v44 =	vmul.f32 v45, v38;
	v38 =	vmul.f32 v47, v38  }
.Ltmp13:
0x171: {  	vm1 =	vmand vm4, vm1;
	vm0 =	vmand vm3, vm0;
	v53 =	vmul.f32 v46, v46;
	(pc) =	sbr.rel @p2 .LBB2_17-.Ltmp13, $4  }
0x172: {  	v49 =	vnsel vm0, $0x0, v43;
	v50 =	vnsel vm1, $0x0, v44;
	vm0 =	vmand vm5, vm2;
	v47 =	vpop (erf)  }
0x173: {  	s22 =	sadd.s32 $0x80, s22;
	s20 =	sadd.s32 $0x10, s20;
	v43 =	vld [tilespmem:s19+$0x280];
	v44 =	vmul.f32 v47, v48;
	v46 =	vmul.f32 v53, v46;
	v45 =	vpop (erf);
	v48 =	vnsel vm0, $0x0, v38  }
0x174: {  	s25 =	sand.u32 $0xFFFFFC00, s22;
	s24 =	sand.u32 $0x70, s20;
	v40 =	vadd.f32 v49, v40;
	v41 =	vadd.f32 v50, v41;
	v38 =	vld [tilespmem:s19+$0x200];
	v45 =	vmul.f32 v45, v52;
	v47 =	vpop (erf)  }
0x175: {  	s23 =	sadd.s32 $0xFFFFFFFF, s23;
	s19 =	sor.u32 s24, s25;
	v49 =	vmul.f32 v44, v44;
	v47 =	vmul.f32 v47, v51;
	v50 =	vadd.f32 $-2.000000000e+00, v46  }
.Ltmp14:
0x176: {  	(pc) =	sbr.rel .LBB2_19-.Ltmp14, $2  }
0x177: {  	_ =	sdelay $0x2  }
0x178: {  	s22 =	smov.u32 s21  }
.LBB2_8:
.Ltmp15:
0x179: {  	(pc) =	sbr.rel .LBB2_12-.Ltmp15, $3  }
0x17a: {  	_ =	sdelay $0x1  }
0x17b: {  	v44 =	vimm.f32 $0.0e+00  }
0x17c: {  	v39 =	vimm.f32 $0.0e+00;
	v41 =	vimm.f32 $0.0e+00;
	v40 =	vimm.f32 $0.0e+00;
	s23 =	smov.u32 s16  }
.LBB2_10:
.Ltmp16:
0x17d: {  	(pc) =	sbr.rel .LBB2_12-.Ltmp16, $3  }
0x17e: {  	_ =	sdelay $0x1  }
0x17f: {  	v44 =	vimm.f32 $0.0e+00  }
0x180: {  	v39 =	vimm.f32 $0.0e+00;
	v41 =	vimm.f32 $0.0e+00;
	v40 =	vimm.f32 $0.0e+00  }
.LBB2_14:
.Ltmp17:
0x181: {  	(pc) =	sbr.rel .LBB2_19-.Ltmp17, $2  }
0x182: {  	_ =	sdelay $0x2  }
0x183: {  	s22 =	smov.u32 s20;
	v42 =	vmovc v36;
	s20 =	smov.u32 s21;
	v39 =	vmov v35;
	v40 =	vmov v22;
	v41 =	vmov v37  }
.LBB2_16:
.Ltmp18:
0x184: {  	(pc) =	sbr.rel .LBB2_19-.Ltmp18, $2  }
0x185: {  	_ =	sdelay $0x2  }
0x186: {  	v42 =	vmov v36;
	s22 =	smov.u32 s21  }
.LBB2_22:
0x187: {  	_ =	sfence.sel $0x180000  }
0x188: {  	[bflag:$0x0] =	sbarrier.arrive $0xFFFF  }
0x189: {  	p0 =	sne.s32 s1, $0x0;
	_ =	strace $0x90000047  }
0x18a: {  	s0 =	sadd.s32 @!p0 $0x100000, s0;
	[bflag:$0x2] =	sbarrier.arrive $0xFFFF  }
0x18b: {  	[sflag:s0] =	ssyncadd.tile.s32 @!p0 $0x1;
	_ =	shalt  }
.Lfunc_end2:
_tile_overlayer_lowered:
.L_overlay_start_2:
0x18c: {  	(tag) =	ssettag $0x2  }
0x18d: {  	s0 =	rddreg [dreg:$0x0];
	s2 =	stileid.u32  }
0x18e: {  	s1 =	rddreg [dreg:$0x1];
	p0 =	sne.s32 s2, $0x0  }
0x18f: {  	s3 =	rddreg [dreg:$0x2];
	[bflag:$0x3] =	sbarrier.arrive $0xFFFF;
	s2 =	simm.s32 @!p0 $0x1C01  }
0x190: {  	[timem:s3], [sflag:s2] =	dma.local @!p0 [hbm:s0], s1  }
0x191: {  	s0 =	simm.s32 @!p0 $0x1  }
0x192: {  	_ =	swait.ge @!p0 [sflag:s0], s1  }
0x193: {  	s1 =	ssub.s32 @!p0 $0x0, s1;
	[sflag:s0] =	ssyncset.done @!p0 $0x0  }
0x194: {  	[sflag:s0] =	ssyncadd.s32 @!p0 s1  }
0x195: {  	[bflag:$0x3] =	sbarrier.arrive $0xFFFF  }
0x196: {  	_ =	shalt  }

</sc_bundles>
